<compile_context>
chip_gen: v7x
topology: tpu7x:2x2x1
jax: 0.10.2.dev20260603
libtpu: 0.0.44.dev20260713+nightly
codegen_flags: <defaults>
</compile_context>

<pallas_src>
import dataclasses
import functools

import jax
import jax.numpy as jnp
from jax import lax
from jax.experimental import pallas as pl
from jax.experimental.pallas import tpu as pltpu
from jax.experimental.pallas import tpu_sc as plsc

_ENCODER_STRIDE = 320
_L = 16


def _pack_pair_words(a, b):
    ai = lax.bitcast_convert_type(a, jnp.int32)
    bi = lax.bitcast_convert_type(b, jnp.int32)

    def rtne(x):
        lsb = lax.bitwise_and(lax.shift_right_logical(x, 16), 1)
        return lax.shift_right_logical(x + 32767 + lsb, 16)

    return lax.bitwise_or(lax.shift_left(rtne(bi), 16), rtne(ai))


def _widen_word(w_i32):
    lo = plsc.bitcast(lax.shift_left(w_i32, 16), jnp.float32)
    hi = plsc.bitcast(
        lax.bitwise_and(w_i32, jnp.int32(-65536)), jnp.float32)
    return lo, hi


def _tc_transpose_pack(student, codebook):
    B, D, T = student.shape
    K = codebook.shape[0]
    TT = 2048
    H = D // 2
    KB = K // (B * (T // TT))

    def body(x_ref, cb_ref, o_ref, ocb_ref):
        y = jnp.swapaxes(x_ref[0], 0, 1).astype(
            jnp.bfloat16).astype(jnp.float32)
        ai = lax.bitcast_convert_type(y[:, :H], jnp.int32)
        bi = lax.bitcast_convert_type(y[:, H:], jnp.int32)
        o_ref[0] = lax.bitwise_or(
            lax.bitwise_and(bi, jnp.int32(-65536)),
            lax.shift_right_logical(ai, 16))
        cb = cb_ref[...]
        ocb_ref[...] = _pack_pair_words(cb[:, :H], cb[:, H:])

    out, out_cb = pl.pallas_call(
        body,
        grid=(B, T // TT),
        in_specs=[
            pl.BlockSpec((1, D, TT), lambda b, t: (b, 0, t)),
            pl.BlockSpec((KB, D), lambda b, t: (b, 0)),
        ],
        out_specs=[
            pl.BlockSpec((1, TT, H), lambda b, t: (b, t, 0)),
            pl.BlockSpec((KB, H), lambda b, t: (b, 0)),
        ],
        out_shape=[
            jax.ShapeDtypeStruct((B, T, H), jnp.int32),
            jax.ShapeDtypeStruct((K, H), jnp.int32),
        ],
    )(student, codebook)
    return out, out_cb


@functools.partial(jax.jit, static_argnames=("W",))
def _sc_vq_loss_partials(student_p, codes, codebook_p, lengths, W=128):
    B, T, H = student_p.shape
    D = 2 * H
    NT = 32
    per_tile = (B * T) // NT
    tiles_per_b = NT // B
    n_blk = per_tile // W
    assert n_blk % 2 == 0
    mesh = plsc.VectorSubcoreMesh(core_axis_name="c", subcore_axis_name="s")
    cp = pltpu.CompilerParams()
    if "needs_layout_passes" in pltpu.CompilerParams.__dataclass_fields__:
        cp = dataclasses.replace(cp, needs_layout_passes=False)

    @functools.partial(
        pl.kernel,
        compiler_params=cp,
        out_type=jax.ShapeDtypeStruct((NT, 2, _L), jnp.float32),
        mesh=mesh,
        scratch_types=[
            pltpu.VMEM((per_tile,), jnp.int32),
            pltpu.VMEM((2, W, H), jnp.int32),
            pltpu.VMEM((2, W, H), jnp.int32),
            pltpu.VMEM((B,), jnp.int32),
            pltpu.VMEM((2, _L), jnp.float32),
            pltpu.SemaphoreType.DMA,
            pltpu.SemaphoreType.DMA,
            pltpu.SemaphoreType.DMA,
            pltpu.SemaphoreType.DMA,
        ],
    )
    def k(st_hbm, codes_hbm, cb_hbm, len_hbm, out_hbm,
          idx_v, crows_v, sblk_v, len_v, acc_v,
          sem_c0, sem_s0, sem_c1, sem_s1):
        cid = lax.axis_index("c")
        sid = lax.axis_index("s")
        wid = sid * 2 + cid
        b = wid // tiles_per_b
        t_base = (wid % tiles_per_b) * per_tile
        sems = ((sem_c0, sem_s0), (sem_c1, sem_s1))

        pltpu.sync_copy(len_hbm, len_v)
        pltpu.sync_copy(codes_hbm.at[b, pl.ds(t_base, per_tile)], idx_v)
        len_b = plsc.load_gather(len_v, [jnp.full((_L,), b, jnp.int32)])
        nf_b = jnp.minimum(len_b // _ENCODER_STRIDE, T)
        acc_v[0, :] = jnp.zeros((_L,), jnp.float32)
        acc_v[1, :] = jnp.zeros((_L,), jnp.float32)

        def copies(blk, buf):
            return (
                pltpu.make_async_copy(
                    cb_hbm.at[idx_v.at[pl.ds(blk * W, W)]],
                    crows_v.at[buf], sems[buf][0]),
                pltpu.make_async_copy(
                    st_hbm.at[b, pl.ds(t_base + blk * W, W), :],
                    sblk_v.at[buf], sems[buf][1]),
            )

        def start_blk(blk, buf):
            for cp_ in copies(blk, buf):
                cp_.start()

        def wait_blk(blk, buf):
            for cp_ in copies(blk, buf):
                cp_.wait()

        def compute(blk, buf):
            t0 = t_base + blk * W

            def t_body(tl, carry):
                tot, cnt = carry
                acc = jnp.zeros((_L,), jnp.float32)
                for i in range(H // _L):
                    sw = sblk_v[buf, tl, pl.ds(i * _L, _L)]
                    cw = crows_v[buf, tl, pl.ds(i * _L, _L)]
                    diff = (plsc.bitcast(sw, jnp.bfloat16)
                            - plsc.bitcast(cw, jnp.bfloat16))
                    d_lo, d_hi = _widen_word(
                        plsc.bitcast(diff, jnp.int32))
                    acc = acc + d_lo * d_lo + d_hi * d_hi
                m = jnp.where(t0 + tl < nf_b, 1.0, 0.0).astype(jnp.float32)
                return tot + m * acc, cnt + m

            tot, cnt = lax.fori_loop(0, W, t_body, (acc_v[0, :], acc_v[1, :]))
            acc_v[0, :] = tot
            acc_v[1, :] = cnt

        start_blk(0, 0)

        @pl.loop(0, n_blk, step=2)
        def _blk(blk):
            start_blk(blk + 1, 1)
            wait_blk(blk, 0)
            compute(blk, 0)

            @pl.when(blk + 2 < n_blk)
            def _():
                start_blk(blk + 2, 0)

            wait_blk(blk + 1, 1)
            compute(blk + 1, 1)

        pltpu.sync_copy(acc_v, out_hbm.at[wid])

    return k(student_p, codes, codebook_p, lengths)


def kernel(student_features, teacher_codes, codebook, lengths):
    if teacher_codes.ndim == 3:
        teacher_codes = teacher_codes[0]
    B, D, T = student_features.shape
    student_p, cb_packed = _tc_transpose_pack(
        student_features.astype(jnp.float32), codebook.astype(jnp.float32))
    out = _sc_vq_loss_partials(
        student_p, teacher_codes.astype(jnp.int32), cb_packed,
        lengths.astype(jnp.int32))
    loss_sum = out[:, 0, :].sum()
    cnt = out[:, 1, :].sum() / _L
    return (loss_sum / D) / (cnt + 1e-8)

# --- scband reference (transcript-rebuilt; emitter-appended) ---
"""Pipeline reference for scband-vqcommitment-loss-42391327212290 (READ-ONLY COPY).

The authoritative reference and input builder live on the scoring server;
editing this copy changes nothing except your own understanding.
"""

import jax, jax.numpy as jnp
import numpy as np


def create_length_mask(lengths, max_audio_len, encoder_stride):
    T = max_audio_len // encoder_stride
    frame_lengths = lengths // encoder_stride  # number of valid frames per batch element
    frame_lengths = jnp.minimum(frame_lengths, T)
    return (jnp.arange(T)[None, :] < frame_lengths[:, None]).astype(jnp.float32)


def setup_inputs(seed: int = 0) -> dict:
    key = jax.random.key(seed)
    k1, k2, k3, k4 = jax.random.split(key, 4)
    B, D, T, K = 16, 256, 2048, 8192
    stride = 320
    student_features = jax.random.normal(k1, (B, D, T), dtype=jnp.float32)
    teacher_codes = jax.random.randint(k2, (B, T), 0, K, dtype=jnp.int64)
    codebook = jax.random.normal(k3, (K, D), dtype=jnp.float32)
    lengths = jax.random.randint(k4, (B,), 0, T * stride, dtype=jnp.int64)
    return {"student_features": student_features, "teacher_codes": teacher_codes, "codebook": codebook, "lengths": lengths}


def reference(student_features, teacher_codes, codebook, lengths):
    encoder_stride = 320
    B, D, T = student_features.shape
    max_audio_len = T * encoder_stride
    if teacher_codes.ndim == 3:
        teacher_codes = teacher_codes[0]
    mask = create_length_mask(lengths, max_audio_len, encoder_stride)
    codes_flat = teacher_codes.reshape(-1).astype(jnp.int32)
    target_embeddings = jnp.take(codebook, codes_flat, axis=0)  # gather -> SparseCore
    target_embeddings = target_embeddings.reshape(B, T, D)
    student_features_t = jnp.transpose(student_features, (0, 2, 1))
    diff_sq = (student_features_t - jax.lax.stop_gradient(target_embeddings)) ** 2
    diff_sq = diff_sq.mean(axis=2)
    masked_diff = diff_sq * mask
    loss = masked_diff.sum() / (mask.sum() + 1e-08)
    return loss

if __name__ == "__main__":
    import jax
    _d = setup_inputs()
    print(jax.jit(kernel)(*tuple(_d.values())))

</pallas_src>

<mosaic_0001>
#map = affine_map<(d0, d1) -> (0, 0, 0)>
#map1 = affine_map<(d0, d1) -> (0, 0)>
#map2 = affine_map<(d0, d1) -> (0)>
module attributes {stable_mosaic.version = 14 : i64} {
  func.func @k(%arg0: i32, %arg1: i32, %arg2: memref<16x2048x128xi32, #tpu.memory_space<hbm>>, %arg3: memref<16x2048xi32, #tpu.memory_space<hbm>>, %arg4: memref<8192x128xi32, #tpu.memory_space<hbm>>, %arg5: memref<16xi32, #tpu.memory_space<hbm>>, %arg6: memref<32x2x16xf32, #tpu.memory_space<hbm>>, %arg7: memref<1024xi32, #tpu.memory_space<vmem>>, %arg8: memref<2x128x128xi32, #tpu.memory_space<vmem>>, %arg9: memref<2x128x128xi32, #tpu.memory_space<vmem>>, %arg10: memref<16xi32, #tpu.memory_space<vmem>>, %arg11: memref<2x16xf32, #tpu.memory_space<vmem>>, %arg12: memref<!tpu.dma_semaphore, #tpu.memory_space<semaphore_mem>>, %arg13: memref<!tpu.dma_semaphore, #tpu.memory_space<semaphore_mem>>, %arg14: memref<!tpu.dma_semaphore, #tpu.memory_space<semaphore_mem>>, %arg15: memref<!tpu.dma_semaphore, #tpu.memory_space<semaphore_mem>>) attributes {dimension_semantics = [#tpu.dimension_semantics<core_parallel>, #tpu.dimension_semantics<subcore_parallel>], iteration_bounds = array<i64: 2, 16>, scalar_prefetch = 0 : i64, scratch_operands = 9 : i64, tpu.core_type = #tpu.core_type<sc_vector_subcore>, window_params = [{transform_indices = #map}, {transform_indices = #map1}, {transform_indices = #map1}, {transform_indices = #map2}, {transform_indices = #map}]} {
    %mul3A = arith.constant 2 : i32
    %mul3A_0 = arith.muli %arg1, %mul3A : i32
    %add3A = arith.addi %mul3A_0, %arg0 : i32
    %jit3A = arith.constant 2 : i32
    %div3A = arith.divsi %add3A, %jit3A : i32
    %sign3A = arith.constant 0 : i32
    %sign3A_1 = arith.cmpi sgt, %add3A, %sign3A : i32
    %sign3A_2 = arith.extui %sign3A_1 : i1 to i32
    %sign3A_3 = arith.constant 0 : i32
    %sign3A_4 = arith.cmpi slt, %add3A, %sign3A_3 : i32
    %sign3A_5 = arith.extui %sign3A_4 : i1 to i32
    %sign3A_6 = arith.subi %sign3A_2, %sign3A_5 : i32
    %sign3A_7 = arith.constant 0 : i32
    %sign3A_8 = arith.cmpi sgt, %jit3A, %sign3A_7 : i32
    %sign3A_9 = arith.extui %sign3A_8 : i1 to i32
    %sign3A_10 = arith.constant 0 : i32
    %sign3A_11 = arith.cmpi slt, %jit3A, %sign3A_10 : i32
    %sign3A_12 = arith.extui %sign3A_11 : i1 to i32
    %sign3A_13 = arith.subi %sign3A_9, %sign3A_12 : i32
    %ne3A = arith.cmpi ne, %sign3A_6, %sign3A_13 : i32
    %rem3A = arith.remsi %add3A, %jit3A : i32
    %ne3A_14 = arith.constant 0 : i32
    %ne3A_15 = arith.cmpi ne, %rem3A, %ne3A_14 : i32
    %and3A = arith.andi %ne3A, %ne3A_15 : i1
    %sub3A = arith.constant 1 : i32
    %sub3A_16 = arith.subi %div3A, %sub3A : i32
    %select_n3A = arith.select %and3A, %sub3A_16, %div3A : i32
    %jit3A_17 = arith.constant 2 : i32
    %eq3A = arith.constant 0 : i32
    %eq3A_18 = arith.cmpi eq, %jit3A_17, %eq3A : i32
    %jit3A_19 = arith.constant 1 : i32
    %select_n3A_20 = arith.select %eq3A_18, %jit3A_19, %jit3A_17 : i32
    %rem3A_21 = arith.remsi %add3A, %select_n3A_20 : i32
    %ne3A_22 = arith.constant 0 : i32
    %ne3A_23 = arith.cmpi ne, %rem3A_21, %ne3A_22 : i32
    %lt3A = arith.constant 0 : i32
    %lt3A_24 = arith.cmpi slt, %rem3A_21, %lt3A : i32
    %lt3A_25 = arith.constant 0 : i32
    %lt3A_26 = arith.cmpi slt, %select_n3A_20, %lt3A_25 : i32
    %ne3A_27 = arith.xori %lt3A_24, %lt3A_26 : i1
    %and3A_28 = arith.andi %ne3A_27, %ne3A_23 : i1
    %add3A_29 = arith.addi %rem3A_21, %select_n3A_20 : i32
    %select_n3A_30 = arith.select %and3A_28, %add3A_29, %rem3A_21 : i32
    %mul3A_31 = arith.constant 1024 : i32
    %mul3A_32 = arith.muli %select_n3A_30, %mul3A_31 : i32
    "tpu.region"() ({
      %run_scoped3A = tpu.sem_alloc : memref<!tpu.dma_semaphore, #tpu.memory_space<semaphore_mem>>
      tpu.enqueue_dma source(%arg5 : memref<16xi32, #tpu.memory_space<hbm>>) target(%arg10 : memref<16xi32, #tpu.memory_space<vmem>>) target_semaphore(%run_scoped3A : memref<!tpu.dma_semaphore, #tpu.memory_space<semaphore_mem>>)
      tpu.wait_dma2 semaphore(%run_scoped3A : memref<!tpu.dma_semaphore, #tpu.memory_space<semaphore_mem>>) src(%arg5 : memref<16xi32, #tpu.memory_space<hbm>>) dst(%arg10 : memref<16xi32, #tpu.memory_space<vmem>>)
      tpu.yield
    }) : () -> ()
    "tpu.region"() ({
      %run_scoped3A = tpu.sem_alloc : memref<!tpu.dma_semaphore, #tpu.memory_space<semaphore_mem>>
      %dma_start3A_107 = tpu.memref_slice %arg3[%select_n3A, %mul3A_32] : memref<16x2048xi32, #tpu.memory_space<hbm>> -> memref<1x1024xi32, #tpu.memory_space<hbm>>
      %dma_start3A_108 = tpu.memref_squeeze %dma_start3A_107 : memref<1x1024xi32, #tpu.memory_space<hbm>> -> memref<1024xi32, #tpu.memory_space<hbm>>
      %dma_start3A_109 = tpu.memref_slice %arg3[%select_n3A, %mul3A_32] : memref<16x2048xi32, #tpu.memory_space<hbm>> -> memref<1x1024xi32, #tpu.memory_space<hbm>>
      %dma_start3A_110 = tpu.memref_squeeze %dma_start3A_109 : memref<1x1024xi32, #tpu.memory_space<hbm>> -> memref<1024xi32, #tpu.memory_space<hbm>>
      tpu.enqueue_dma source(%dma_start3A_110 : memref<1024xi32, #tpu.memory_space<hbm>>) target(%arg7 : memref<1024xi32, #tpu.memory_space<vmem>>) target_semaphore(%run_scoped3A : memref<!tpu.dma_semaphore, #tpu.memory_space<semaphore_mem>>)
      %dma_wait3A = tpu.memref_slice %arg3[%select_n3A, %mul3A_32] : memref<16x2048xi32, #tpu.memory_space<hbm>> -> memref<1x1024xi32, #tpu.memory_space<hbm>>
      %dma_wait3A_111 = tpu.memref_squeeze %dma_wait3A : memref<1x1024xi32, #tpu.memory_space<hbm>> -> memref<1024xi32, #tpu.memory_space<hbm>>
      %dma_wait3A_112 = tpu.memref_slice %arg3[%select_n3A, %mul3A_32] : memref<16x2048xi32, #tpu.memory_space<hbm>> -> memref<1x1024xi32, #tpu.memory_space<hbm>>
      %dma_wait3A_113 = tpu.memref_squeeze %dma_wait3A_112 : memref<1x1024xi32, #tpu.memory_space<hbm>> -> memref<1024xi32, #tpu.memory_space<hbm>>
      tpu.wait_dma2 semaphore(%run_scoped3A : memref<!tpu.dma_semaphore, #tpu.memory_space<semaphore_mem>>) src(%dma_wait3A_113 : memref<1024xi32, #tpu.memory_space<hbm>>) dst(%arg7 : memref<1024xi32, #tpu.memory_space<vmem>>)
      tpu.yield
    }) : () -> ()
    %broadcast_in_dim3A = vector.broadcast %select_n3A : i32 to vector<16xi32>
    %gather3A = tpu.vector_load_idx %arg10[%broadcast_in_dim3A] : memref<16xi32, #tpu.memory_space<vmem>>[vector<16xi32>], vector<16xi32>,
    %jit3A_33 = arith.constant 320 : i32
    %div3A_34 = vector.broadcast %jit3A_33 : i32 to vector<16xi32>
    %div3A_35 = arith.divsi %gather3A, %div3A_34 : vector<16xi32>
    %sign3A_36 = arith.constant 0 : i32
    %sign3A_37 = vector.broadcast %sign3A_36 : i32 to vector<16xi32>
    %sign3A_38 = arith.cmpi sgt, %gather3A, %sign3A_37 : vector<16xi32>
    %sign3A_39 = arith.extui %sign3A_38 : vector<16xi1> to vector<16xi32>
    %sign3A_40 = arith.constant 0 : i32
    %sign3A_41 = vector.broadcast %sign3A_40 : i32 to vector<16xi32>
    %sign3A_42 = arith.cmpi slt, %gather3A, %sign3A_41 : vector<16xi32>
    %sign3A_43 = arith.extui %sign3A_42 : vector<16xi1> to vector<16xi32>
    %sign3A_44 = arith.subi %sign3A_39, %sign3A_43 : vector<16xi32>
    %sign3A_45 = arith.constant 0 : i32
    %sign3A_46 = arith.cmpi sgt, %jit3A_33, %sign3A_45 : i32
    %sign3A_47 = arith.extui %sign3A_46 : i1 to i32
    %sign3A_48 = arith.constant 0 : i32
    %sign3A_49 = arith.cmpi slt, %jit3A_33, %sign3A_48 : i32
    %sign3A_50 = arith.extui %sign3A_49 : i1 to i32
    %sign3A_51 = arith.subi %sign3A_47, %sign3A_50 : i32
    %ne3A_52 = vector.broadcast %sign3A_51 : i32 to vector<16xi32>
    %ne3A_53 = arith.cmpi ne, %sign3A_44, %ne3A_52 : vector<16xi32>
    %rem3A_54 = vector.broadcast %jit3A_33 : i32 to vector<16xi32>
    %rem3A_55 = arith.remsi %gather3A, %rem3A_54 : vector<16xi32>
    %ne3A_56 = arith.constant 0 : i32
    %ne3A_57 = vector.broadcast %ne3A_56 : i32 to vector<16xi32>
    %ne3A_58 = arith.cmpi ne, %rem3A_55, %ne3A_57 : vector<16xi32>
    %and3A_59 = arith.andi %ne3A_53, %ne3A_58 : vector<16xi1>
    %sub3A_60 = arith.constant 1 : i32
    %sub3A_61 = vector.broadcast %sub3A_60 : i32 to vector<16xi32>
    %sub3A_62 = arith.subi %div3A_35, %sub3A_61 : vector<16xi32>
    %select_n3A_63 = arith.select %and3A_59, %sub3A_62, %div3A_35 : vector<16xi1>, vector<16xi32>
    %min3A = arith.constant 2048 : i32
    %min3A_64 = vector.broadcast %min3A : i32 to vector<16xi32>
    %min3A_65 = arith.minsi %select_n3A_63, %min3A_64 : vector<16xi32>
    %broadcast_in_dim3A_66 = arith.constant 0.000000e+00 : f32
    %broadcast_in_dim3A_67 = vector.broadcast %broadcast_in_dim3A_66 : f32 to vector<16xf32>
    %swap3A = arith.constant 0 : i32
    %swap3A_68 = arith.index_cast %swap3A : i32 to index
    %swap3A_69 = arith.constant 0 : index
    %swap3A_70 = tpu.vector_load %arg11[%swap3A_68, %swap3A_69] {strides = array<i32>} : memref<2x16xf32, #tpu.memory_space<vmem>>, vector<16xf32>,
    tpu.vector_store %arg11[%swap3A_68, %swap3A_69], %broadcast_in_dim3A_67 {strides = array<i32>} : memref<2x16xf32, #tpu.memory_space<vmem>>, vector<16xf32>,
    %broadcast_in_dim3A_71 = arith.constant 0.000000e+00 : f32
    %broadcast_in_dim3A_72 = vector.broadcast %broadcast_in_dim3A_71 : f32 to vector<16xf32>
    %swap3A_73 = arith.constant 1 : i32
    %swap3A_74 = arith.index_cast %swap3A_73 : i32 to index
    %swap3A_75 = arith.constant 0 : index
    %swap3A_76 = tpu.vector_load %arg11[%swap3A_74, %swap3A_75] {strides = array<i32>} : memref<2x16xf32, #tpu.memory_space<vmem>>, vector<16xf32>,
    tpu.vector_store %arg11[%swap3A_74, %swap3A_75], %broadcast_in_dim3A_72 {strides = array<i32>} : memref<2x16xf32, #tpu.memory_space<vmem>>, vector<16xf32>,
    %add3A_77 = arith.constant 0 : i32
    %add3A_78 = arith.addi %mul3A_32, %add3A_77 : i32
    %dma_start3A = arith.constant 0 : i32
    %dma_start3A_79 = arith.constant 0 : i32
    %dma_start3A_80 = arith.constant 0 : i32
    %dma_start3A_81 = tpu.memref_slice %arg8[%dma_start3A, %dma_start3A_79, %dma_start3A_80] : memref<2x128x128xi32, #tpu.memory_space<vmem>> -> memref<1x128x128xi32, #tpu.memory_space<vmem>>
    %dma_start3A_82 = tpu.memref_squeeze %dma_start3A_81 : memref<1x128x128xi32, #tpu.memory_space<vmem>> -> memref<128x128xi32, #tpu.memory_space<vmem>>
    %dma_start3A_83 = arith.constant 0 : i32
    %dma_start3A_84 = tpu.memref_slice %arg7[%dma_start3A_83] : memref<1024xi32, #tpu.memory_space<vmem>> -> memref<128xi32, #tpu.memory_space<vmem>>
    %dma_start3A_85 = arith.constant 0 : i32
    %dma_start3A_86 = arith.constant 0 : i32
    %dma_start3A_87 = tpu.memref_slice %arg4[%dma_start3A_85, %dma_start3A_86] : memref<8192x128xi32, #tpu.memory_space<hbm>> -> memref<8192x128xi32, #tpu.memory_space<hbm>>
    tpu.enqueue_indirect_dma source(%dma_start3A_87 : memref<8192x128xi32, #tpu.memory_space<hbm>>) target(%dma_start3A_82 : memref<128x128xi32, #tpu.memory_space<vmem>>) offsets(%dma_start3A_84 : memref<128xi32, #tpu.memory_space<vmem>>) semaphore(%arg12 : memref<!tpu.dma_semaphore, #tpu.memory_space<semaphore_mem>>)
    %dma_start3A_88 = arith.constant 0 : i32
    %dma_start3A_89 = arith.constant 0 : i32
    %dma_start3A_90 = arith.constant 0 : i32
    %dma_start3A_91 = tpu.memref_slice %arg9[%dma_start3A_88, %dma_start3A_89, %dma_start3A_90] : memref<2x128x128xi32, #tpu.memory_space<vmem>> -> memref<1x128x128xi32, #tpu.memory_space<vmem>>
    %dma_start3A_92 = tpu.memref_squeeze %dma_start3A_91 : memref<1x128x128xi32, #tpu.memory_space<vmem>> -> memref<128x128xi32, #tpu.memory_space<vmem>>
    %dma_start3A_93 = arith.constant 0 : i32
    %dma_start3A_94 = tpu.memref_slice %arg2[%select_n3A, %add3A_78, %dma_start3A_93] : memref<16x2048x128xi32, #tpu.memory_space<hbm>> -> memref<1x128x128xi32, #tpu.memory_space<hbm>>
    %dma_start3A_95 = tpu.memref_squeeze %dma_start3A_94 : memref<1x128x128xi32, #tpu.memory_space<hbm>> -> memref<128x128xi32, #tpu.memory_space<hbm>>
    %dma_start3A_96 = arith.constant 0 : i32
    %dma_start3A_97 = arith.constant 0 : i32
    %dma_start3A_98 = tpu.memref_slice %arg9[%dma_start3A_88, %dma_start3A_96, %dma_start3A_97] : memref<2x128x128xi32, #tpu.memory_space<vmem>> -> memref<1x128x128xi32, #tpu.memory_space<vmem>>
    %dma_start3A_99 = tpu.memref_squeeze %dma_start3A_98 : memref<1x128x128xi32, #tpu.memory_space<vmem>> -> memref<128x128xi32, #tpu.memory_space<vmem>>
    %dma_start3A_100 = arith.constant 0 : i32
    %dma_start3A_101 = tpu.memref_slice %arg2[%select_n3A, %add3A_78, %dma_start3A_100] : memref<16x2048x128xi32, #tpu.memory_space<hbm>> -> memref<1x128x128xi32, #tpu.memory_space<hbm>>
    %dma_start3A_102 = tpu.memref_squeeze %dma_start3A_101 : memref<1x128x128xi32, #tpu.memory_space<hbm>> -> memref<128x128xi32, #tpu.memory_space<hbm>>
    tpu.enqueue_dma source(%dma_start3A_102 : memref<128x128xi32, #tpu.memory_space<hbm>>) target(%dma_start3A_99 : memref<128x128xi32, #tpu.memory_space<vmem>>) target_semaphore(%arg13 : memref<!tpu.dma_semaphore, #tpu.memory_space<semaphore_mem>>)
    %scan3A = arith.constant 0 : i32
    %scan3A_103 = arith.constant 4 : i32
    %scan3A_104 = arith.addi %scan3A, %scan3A_103 : i32
    %scan3A_105 = arith.constant 1 : i32
    scf.for %scan3A_107 = %scan3A to %scan3A_104 step %scan3A_105  : i32 {
      %mul3A_108 = arith.constant 2 : i32
      %mul3A_109 = arith.muli %scan3A_107, %mul3A_108 : i32
      %add3A_110 = arith.constant 0 : i32
      %add3A_111 = arith.addi %add3A_110, %mul3A_109 : i32
      %add3A_112 = arith.constant 1 : i32
      %add3A_113 = arith.addi %add3A_111, %add3A_112 : i32
      %mul3A_114 = arith.constant 128 : i32
      %mul3A_115 = arith.muli %add3A_113, %mul3A_114 : i32
      %mul3A_116 = arith.constant 128 : i32
      %mul3A_117 = arith.muli %add3A_113, %mul3A_116 : i32
      %add3A_118 = arith.addi %mul3A_32, %mul3A_117 : i32
      %dma_start3A_119 = arith.constant 1 : i32
      %dma_start3A_120 = arith.constant 0 : i32
      %dma_start3A_121 = arith.constant 0 : i32
      %dma_start3A_122 = tpu.memref_slice %arg8[%dma_start3A_119, %dma_start3A_120, %dma_start3A_121] : memref<2x128x128xi32, #tpu.memory_space<vmem>> -> memref<1x128x128xi32, #tpu.memory_space<vmem>>
      %dma_start3A_123 = tpu.memref_squeeze %dma_start3A_122 : memref<1x128x128xi32, #tpu.memory_space<vmem>> -> memref<128x128xi32, #tpu.memory_space<vmem>>
      %dma_start3A_124 = tpu.memref_slice %arg7[%mul3A_115] : memref<1024xi32, #tpu.memory_space<vmem>> -> memref<128xi32, #tpu.memory_space<vmem>>
      %dma_start3A_125 = arith.constant 0 : i32
      %dma_start3A_126 = arith.constant 0 : i32
      %dma_start3A_127 = tpu.memref_slice %arg4[%dma_start3A_125, %dma_start3A_126] : memref<8192x128xi32, #tpu.memory_space<hbm>> -> memref<8192x128xi32, #tpu.memory_space<hbm>>
      tpu.enqueue_indirect_dma source(%dma_start3A_127 : memref<8192x128xi32, #tpu.memory_space<hbm>>) target(%dma_start3A_123 : memref<128x128xi32, #tpu.memory_space<vmem>>) offsets(%dma_start3A_124 : memref<128xi32, #tpu.memory_space<vmem>>) semaphore(%arg14 : memref<!tpu.dma_semaphore, #tpu.memory_space<semaphore_mem>>)
      %dma_start3A_128 = arith.constant 1 : i32
      %dma_start3A_129 = arith.constant 0 : i32
      %dma_start3A_130 = arith.constant 0 : i32
      %dma_start3A_131 = tpu.memref_slice %arg9[%dma_start3A_128, %dma_start3A_129, %dma_start3A_130] : memref<2x128x128xi32, #tpu.memory_space<vmem>> -> memref<1x128x128xi32, #tpu.memory_space<vmem>>
      %dma_start3A_132 = tpu.memref_squeeze %dma_start3A_131 : memref<1x128x128xi32, #tpu.memory_space<vmem>> -> memref<128x128xi32, #tpu.memory_space<vmem>>
      %dma_start3A_133 = arith.constant 0 : i32
      %dma_start3A_134 = tpu.memref_slice %arg2[%select_n3A, %add3A_118, %dma_start3A_133] : memref<16x2048x128xi32, #tpu.memory_space<hbm>> -> memref<1x128x128xi32, #tpu.memory_space<hbm>>
      %dma_start3A_135 = tpu.memref_squeeze %dma_start3A_134 : memref<1x128x128xi32, #tpu.memory_space<hbm>> -> memref<128x128xi32, #tpu.memory_space<hbm>>
      %dma_start3A_136 = arith.constant 0 : i32
      %dma_start3A_137 = arith.constant 0 : i32
      %dma_start3A_138 = tpu.memref_slice %arg9[%dma_start3A_128, %dma_start3A_136, %dma_start3A_137] : memref<2x128x128xi32, #tpu.memory_space<vmem>> -> memref<1x128x128xi32, #tpu.memory_space<vmem>>
      %dma_start3A_139 = tpu.memref_squeeze %dma_start3A_138 : memref<1x128x128xi32, #tpu.memory_space<vmem>> -> memref<128x128xi32, #tpu.memory_space<vmem>>
      %dma_start3A_140 = arith.constant 0 : i32
      %dma_start3A_141 = tpu.memref_slice %arg2[%select_n3A, %add3A_118, %dma_start3A_140] : memref<16x2048x128xi32, #tpu.memory_space<hbm>> -> memref<1x128x128xi32, #tpu.memory_space<hbm>>
      %dma_start3A_142 = tpu.memref_squeeze %dma_start3A_141 : memref<1x128x128xi32, #tpu.memory_space<hbm>> -> memref<128x128xi32, #tpu.memory_space<hbm>>
      tpu.enqueue_dma source(%dma_start3A_142 : memref<128x128xi32, #tpu.memory_space<hbm>>) target(%dma_start3A_139 : memref<128x128xi32, #tpu.memory_space<vmem>>) target_semaphore(%arg15 : memref<!tpu.dma_semaphore, #tpu.memory_space<semaphore_mem>>)
      %mul3A_143 = arith.constant 128 : i32
      %mul3A_144 = arith.muli %add3A_111, %mul3A_143 : i32
      %mul3A_145 = arith.constant 128 : i32
      %mul3A_146 = arith.muli %add3A_111, %mul3A_145 : i32
      %add3A_147 = arith.addi %mul3A_32, %mul3A_146 : i32
      %dma_wait3A = arith.constant 0 : i32
      %dma_wait3A_148 = arith.constant 0 : i32
      %dma_wait3A_149 = arith.constant 0 : i32
      %dma_wait3A_150 = tpu.memref_slice %arg8[%dma_wait3A, %dma_wait3A_148, %dma_wait3A_149] : memref<2x128x128xi32, #tpu.memory_space<vmem>> -> memref<1x128x128xi32, #tpu.memory_space<vmem>>
      %dma_wait3A_151 = tpu.memref_squeeze %dma_wait3A_150 : memref<1x128x128xi32, #tpu.memory_space<vmem>> -> memref<128x128xi32, #tpu.memory_space<vmem>>
      %dma_wait3A_152 = tpu.memref_slice %arg7[%mul3A_144] : memref<1024xi32, #tpu.memory_space<vmem>> -> memref<128xi32, #tpu.memory_space<vmem>>
      %dma_wait3A_153 = arith.constant 0 : i32
      %dma_wait3A_154 = arith.constant 0 : i32
      %dma_wait3A_155 = tpu.memref_slice %arg4[%dma_wait3A_153, %dma_wait3A_154] : memref<8192x128xi32, #tpu.memory_space<hbm>> -> memref<8192x128xi32, #tpu.memory_space<hbm>>
      tpu.wait_indirect_dma semaphore(%arg12 : memref<!tpu.dma_semaphore, #tpu.memory_space<semaphore_mem>>) src(%dma_wait3A_155 : memref<8192x128xi32, #tpu.memory_space<hbm>>) dst(%dma_wait3A_151 : memref<128x128xi32, #tpu.memory_space<vmem>>)
      %dma_wait3A_156 = arith.constant 0 : i32
      %dma_wait3A_157 = arith.constant 0 : i32
      %dma_wait3A_158 = arith.constant 0 : i32
      %dma_wait3A_159 = tpu.memref_slice %arg9[%dma_wait3A_156, %dma_wait3A_157, %dma_wait3A_158] : memref<2x128x128xi32, #tpu.memory_space<vmem>> -> memref<1x128x128xi32, #tpu.memory_space<vmem>>
      %dma_wait3A_160 = tpu.memref_squeeze %dma_wait3A_159 : memref<1x128x128xi32, #tpu.memory_space<vmem>> -> memref<128x128xi32, #tpu.memory_space<vmem>>
      %dma_wait3A_161 = arith.constant 0 : i32
      %dma_wait3A_162 = tpu.memref_slice %arg2[%select_n3A, %add3A_147, %dma_wait3A_161] : memref<16x2048x128xi32, #tpu.memory_space<hbm>> -> memref<1x128x128xi32, #tpu.memory_space<hbm>>
      %dma_wait3A_163 = tpu.memref_squeeze %dma_wait3A_162 : memref<1x128x128xi32, #tpu.memory_space<hbm>> -> memref<128x128xi32, #tpu.memory_space<hbm>>
      %dma_wait3A_164 = arith.constant 0 : i32
      %dma_wait3A_165 = arith.constant 0 : i32
      %dma_wait3A_166 = tpu.memref_slice %arg9[%dma_wait3A_156, %dma_wait3A_164, %dma_wait3A_165] : memref<2x128x128xi32, #tpu.memory_space<vmem>> -> memref<1x128x128xi32, #tpu.memory_space<vmem>>
      %dma_wait3A_167 = tpu.memref_squeeze %dma_wait3A_166 : memref<1x128x128xi32, #tpu.memory_space<vmem>> -> memref<128x128xi32, #tpu.memory_space<vmem>>
      %dma_wait3A_168 = arith.constant 0 : i32
      %dma_wait3A_169 = tpu.memref_slice %arg2[%select_n3A, %add3A_147, %dma_wait3A_168] : memref<16x2048x128xi32, #tpu.memory_space<hbm>> -> memref<1x128x128xi32, #tpu.memory_space<hbm>>
      %dma_wait3A_170 = tpu.memref_squeeze %dma_wait3A_169 : memref<1x128x128xi32, #tpu.memory_space<hbm>> -> memref<128x128xi32, #tpu.memory_space<hbm>>
      tpu.wait_dma2 semaphore(%arg13 : memref<!tpu.dma_semaphore, #tpu.memory_space<semaphore_mem>>) src(%dma_wait3A_170 : memref<128x128xi32, #tpu.memory_space<hbm>>) dst(%dma_wait3A_167 : memref<128x128xi32, #tpu.memory_space<vmem>>)
      %mul3A_171 = arith.constant 128 : i32
      %mul3A_172 = arith.muli %add3A_111, %mul3A_171 : i32
      %add3A_173 = arith.addi %mul3A_32, %mul3A_172 : i32
      %get3A = arith.constant 0 : i32
      %get3A_174 = arith.index_cast %get3A : i32 to index
      %get3A_175 = arith.constant 0 : index
      %get3A_176 = tpu.vector_load %arg11[%get3A_174, %get3A_175] {strides = array<i32>} : memref<2x16xf32, #tpu.memory_space<vmem>>, vector<16xf32>,
      %get3A_177 = arith.constant 1 : i32
      %get3A_178 = arith.index_cast %get3A_177 : i32 to index
      %get3A_179 = arith.constant 0 : index
      %get3A_180 = tpu.vector_load %arg11[%get3A_178, %get3A_179] {strides = array<i32>} : memref<2x16xf32, #tpu.memory_space<vmem>>, vector<16xf32>,
      %scan3A_181 = arith.constant 0 : i32
      %scan3A_182 = arith.constant 128 : i32
      %scan3A_183 = arith.addi %scan3A_181, %scan3A_182 : i32
      %scan3A_184 = arith.constant 1 : i32
      %scan3A_185:2 = scf.for %scan3A_258 = %scan3A_181 to %scan3A_183 step %scan3A_184 iter_args(%scan3A_259 = %get3A_176, %scan3A_260 = %get3A_180) -> (vector<16xf32>, vector<16xf32>)  : i32 {
        %broadcast_in_dim3A_261 = arith.constant 0.000000e+00 : f32
        %broadcast_in_dim3A_262 = vector.broadcast %broadcast_in_dim3A_261 : f32 to vector<16xf32>
        %get3A_263 = arith.constant 0 : i32
        %get3A_264 = arith.index_cast %get3A_263 : i32 to index
        %get3A_265 = arith.index_cast %scan3A_258 : i32 to index
        %get3A_266 = arith.constant 0 : index
        %get3A_267 = tpu.vector_load %arg9[%get3A_264, %get3A_265, %get3A_266] {strides = array<i32>} : memref<2x128x128xi32, #tpu.memory_space<vmem>>, vector<16xi32>,
        %get3A_268 = arith.constant 0 : i32
        %get3A_269 = arith.index_cast %get3A_268 : i32 to index
        %get3A_270 = arith.index_cast %scan3A_258 : i32 to index
        %get3A_271 = arith.constant 0 : index
        %get3A_272 = tpu.vector_load %arg8[%get3A_269, %get3A_270, %get3A_271] {strides = array<i32>} : memref<2x128x128xi32, #tpu.memory_space<vmem>>, vector<16xi32>,
        %bitcast3A = vector.bitcast %get3A_267 : vector<16xi32> to vector<32xbf16>
        %bitcast3A_273 = vector.bitcast %get3A_272 : vector<16xi32> to vector<32xbf16>
        %sub3A_274 = arith.subf %bitcast3A, %bitcast3A_273 : vector<32xbf16>
        %bitcast3A_275 = vector.bitcast %sub3A_274 : vector<32xbf16> to vector<16xi32>
        %shift_left3A = arith.constant 16 : i32
        %shift_left3A_276 = vector.broadcast %shift_left3A : i32 to vector<16xi32>
        %shift_left3A_277 = arith.shli %bitcast3A_275, %shift_left3A_276 : vector<16xi32>
        %bitcast3A_278 = vector.bitcast %shift_left3A_277 : vector<16xi32> to vector<16xf32>
        %and3A_279 = arith.constant -65536 : i32
        %and3A_280 = vector.broadcast %and3A_279 : i32 to vector<16xi32>
        %and3A_281 = arith.andi %bitcast3A_275, %and3A_280 : vector<16xi32>
        %bitcast3A_282 = vector.bitcast %and3A_281 : vector<16xi32> to vector<16xf32>
        %mul3A_283 = arith.mulf %bitcast3A_278, %bitcast3A_278 : vector<16xf32>
        %add3A_284 = arith.addf %broadcast_in_dim3A_262, %mul3A_283 : vector<16xf32>
        %mul3A_285 = arith.mulf %bitcast3A_282, %bitcast3A_282 : vector<16xf32>
        %add3A_286 = arith.addf %add3A_284, %mul3A_285 : vector<16xf32>
        %get3A_287 = arith.constant 0 : i32
        %get3A_288 = arith.index_cast %get3A_287 : i32 to index
        %get3A_289 = arith.index_cast %scan3A_258 : i32 to index
        %get3A_290 = arith.constant 16 : index
        %get3A_291 = tpu.vector_load %arg9[%get3A_288, %get3A_289, %get3A_290] {strides = array<i32>} : memref<2x128x128xi32, #tpu.memory_space<vmem>>, vector<16xi32>,
        %get3A_292 = arith.constant 0 : i32
        %get3A_293 = arith.index_cast %get3A_292 : i32 to index
        %get3A_294 = arith.index_cast %scan3A_258 : i32 to index
        %get3A_295 = arith.constant 16 : index
        %get3A_296 = tpu.vector_load %arg8[%get3A_293, %get3A_294, %get3A_295] {strides = array<i32>} : memref<2x128x128xi32, #tpu.memory_space<vmem>>, vector<16xi32>,
        %bitcast3A_297 = vector.bitcast %get3A_291 : vector<16xi32> to vector<32xbf16>
        %bitcast3A_298 = vector.bitcast %get3A_296 : vector<16xi32> to vector<32xbf16>
        %sub3A_299 = arith.subf %bitcast3A_297, %bitcast3A_298 : vector<32xbf16>
        %bitcast3A_300 = vector.bitcast %sub3A_299 : vector<32xbf16> to vector<16xi32>
        %shift_left3A_301 = arith.constant 16 : i32
        %shift_left3A_302 = vector.broadcast %shift_left3A_301 : i32 to vector<16xi32>
        %shift_left3A_303 = arith.shli %bitcast3A_300, %shift_left3A_302 : vector<16xi32>
        %bitcast3A_304 = vector.bitcast %shift_left3A_303 : vector<16xi32> to vector<16xf32>
        %and3A_305 = arith.constant -65536 : i32
        %and3A_306 = vector.broadcast %and3A_305 : i32 to vector<16xi32>
        %and3A_307 = arith.andi %bitcast3A_300, %and3A_306 : vector<16xi32>
        %bitcast3A_308 = vector.bitcast %and3A_307 : vector<16xi32> to vector<16xf32>
        %mul3A_309 = arith.mulf %bitcast3A_304, %bitcast3A_304 : vector<16xf32>
        %add3A_310 = arith.addf %add3A_286, %mul3A_309 : vector<16xf32>
        %mul3A_311 = arith.mulf %bitcast3A_308, %bitcast3A_308 : vector<16xf32>
        %add3A_312 = arith.addf %add3A_310, %mul3A_311 : vector<16xf32>
        %get3A_313 = arith.constant 0 : i32
        %get3A_314 = arith.index_cast %get3A_313 : i32 to index
        %get3A_315 = arith.index_cast %scan3A_258 : i32 to index
        %get3A_316 = arith.constant 32 : index
        %get3A_317 = tpu.vector_load %arg9[%get3A_314, %get3A_315, %get3A_316] {strides = array<i32>} : memref<2x128x128xi32, #tpu.memory_space<vmem>>, vector<16xi32>,
        %get3A_318 = arith.constant 0 : i32
        %get3A_319 = arith.index_cast %get3A_318 : i32 to index
        %get3A_320 = arith.index_cast %scan3A_258 : i32 to index
        %get3A_321 = arith.constant 32 : index
        %get3A_322 = tpu.vector_load %arg8[%get3A_319, %get3A_320, %get3A_321] {strides = array<i32>} : memref<2x128x128xi32, #tpu.memory_space<vmem>>, vector<16xi32>,
        %bitcast3A_323 = vector.bitcast %get3A_317 : vector<16xi32> to vector<32xbf16>
        %bitcast3A_324 = vector.bitcast %get3A_322 : vector<16xi32> to vector<32xbf16>
        %sub3A_325 = arith.subf %bitcast3A_323, %bitcast3A_324 : vector<32xbf16>
        %bitcast3A_326 = vector.bitcast %sub3A_325 : vector<32xbf16> to vector<16xi32>
        %shift_left3A_327 = arith.constant 16 : i32
        %shift_left3A_328 = vector.broadcast %shift_left3A_327 : i32 to vector<16xi32>
        %shift_left3A_329 = arith.shli %bitcast3A_326, %shift_left3A_328 : vector<16xi32>
        %bitcast3A_330 = vector.bitcast %shift_left3A_329 : vector<16xi32> to vector<16xf32>
        %and3A_331 = arith.constant -65536 : i32
        %and3A_332 = vector.broadcast %and3A_331 : i32 to vector<16xi32>
        %and3A_333 = arith.andi %bitcast3A_326, %and3A_332 : vector<16xi32>
        %bitcast3A_334 = vector.bitcast %and3A_333 : vector<16xi32> to vector<16xf32>
        %mul3A_335 = arith.mulf %bitcast3A_330, %bitcast3A_330 : vector<16xf32>
        %add3A_336 = arith.addf %add3A_312, %mul3A_335 : vector<16xf32>
        %mul3A_337 = arith.mulf %bitcast3A_334, %bitcast3A_334 : vector<16xf32>
        %add3A_338 = arith.addf %add3A_336, %mul3A_337 : vector<16xf32>
        %get3A_339 = arith.constant 0 : i32
        %get3A_340 = arith.index_cast %get3A_339 : i32 to index
        %get3A_341 = arith.index_cast %scan3A_258 : i32 to index
        %get3A_342 = arith.constant 48 : index
        %get3A_343 = tpu.vector_load %arg9[%get3A_340, %get3A_341, %get3A_342] {strides = array<i32>} : memref<2x128x128xi32, #tpu.memory_space<vmem>>, vector<16xi32>,
        %get3A_344 = arith.constant 0 : i32
        %get3A_345 = arith.index_cast %get3A_344 : i32 to index
        %get3A_346 = arith.index_cast %scan3A_258 : i32 to index
        %get3A_347 = arith.constant 48 : index
        %get3A_348 = tpu.vector_load %arg8[%get3A_345, %get3A_346, %get3A_347] {strides = array<i32>} : memref<2x128x128xi32, #tpu.memory_space<vmem>>, vector<16xi32>,
        %bitcast3A_349 = vector.bitcast %get3A_343 : vector<16xi32> to vector<32xbf16>
        %bitcast3A_350 = vector.bitcast %get3A_348 : vector<16xi32> to vector<32xbf16>
        %sub3A_351 = arith.subf %bitcast3A_349, %bitcast3A_350 : vector<32xbf16>
        %bitcast3A_352 = vector.bitcast %sub3A_351 : vector<32xbf16> to vector<16xi32>
        %shift_left3A_353 = arith.constant 16 : i32
        %shift_left3A_354 = vector.broadcast %shift_left3A_353 : i32 to vector<16xi32>
        %shift_left3A_355 = arith.shli %bitcast3A_352, %shift_left3A_354 : vector<16xi32>
        %bitcast3A_356 = vector.bitcast %shift_left3A_355 : vector<16xi32> to vector<16xf32>
        %and3A_357 = arith.constant -65536 : i32
        %and3A_358 = vector.broadcast %and3A_357 : i32 to vector<16xi32>
        %and3A_359 = arith.andi %bitcast3A_352, %and3A_358 : vector<16xi32>
        %bitcast3A_360 = vector.bitcast %and3A_359 : vector<16xi32> to vector<16xf32>
        %mul3A_361 = arith.mulf %bitcast3A_356, %bitcast3A_356 : vector<16xf32>
        %add3A_362 = arith.addf %add3A_338, %mul3A_361 : vector<16xf32>
        %mul3A_363 = arith.mulf %bitcast3A_360, %bitcast3A_360 : vector<16xf32>
        %add3A_364 = arith.addf %add3A_362, %mul3A_363 : vector<16xf32>
        %get3A_365 = arith.constant 0 : i32
        %get3A_366 = arith.index_cast %get3A_365 : i32 to index
        %get3A_367 = arith.index_cast %scan3A_258 : i32 to index
        %get3A_368 = arith.constant 64 : index
        %get3A_369 = tpu.vector_load %arg9[%get3A_366, %get3A_367, %get3A_368] {strides = array<i32>} : memref<2x128x128xi32, #tpu.memory_space<vmem>>, vector<16xi32>,
        %get3A_370 = arith.constant 0 : i32
        %get3A_371 = arith.index_cast %get3A_370 : i32 to index
        %get3A_372 = arith.index_cast %scan3A_258 : i32 to index
        %get3A_373 = arith.constant 64 : index
        %get3A_374 = tpu.vector_load %arg8[%get3A_371, %get3A_372, %get3A_373] {strides = array<i32>} : memref<2x128x128xi32, #tpu.memory_space<vmem>>, vector<16xi32>,
        %bitcast3A_375 = vector.bitcast %get3A_369 : vector<16xi32> to vector<32xbf16>
        %bitcast3A_376 = vector.bitcast %get3A_374 : vector<16xi32> to vector<32xbf16>
        %sub3A_377 = arith.subf %bitcast3A_375, %bitcast3A_376 : vector<32xbf16>
        %bitcast3A_378 = vector.bitcast %sub3A_377 : vector<32xbf16> to vector<16xi32>
        %shift_left3A_379 = arith.constant 16 : i32
        %shift_left3A_380 = vector.broadcast %shift_left3A_379 : i32 to vector<16xi32>
        %shift_left3A_381 = arith.shli %bitcast3A_378, %shift_left3A_380 : vector<16xi32>
        %bitcast3A_382 = vector.bitcast %shift_left3A_381 : vector<16xi32> to vector<16xf32>
        %and3A_383 = arith.constant -65536 : i32
        %and3A_384 = vector.broadcast %and3A_383 : i32 to vector<16xi32>
        %and3A_385 = arith.andi %bitcast3A_378, %and3A_384 : vector<16xi32>
        %bitcast3A_386 = vector.bitcast %and3A_385 : vector<16xi32> to vector<16xf32>
        %mul3A_387 = arith.mulf %bitcast3A_382, %bitcast3A_382 : vector<16xf32>
        %add3A_388 = arith.addf %add3A_364, %mul3A_387 : vector<16xf32>
        %mul3A_389 = arith.mulf %bitcast3A_386, %bitcast3A_386 : vector<16xf32>
        %add3A_390 = arith.addf %add3A_388, %mul3A_389 : vector<16xf32>
        %get3A_391 = arith.constant 0 : i32
        %get3A_392 = arith.index_cast %get3A_391 : i32 to index
        %get3A_393 = arith.index_cast %scan3A_258 : i32 to index
        %get3A_394 = arith.constant 80 : index
        %get3A_395 = tpu.vector_load %arg9[%get3A_392, %get3A_393, %get3A_394] {strides = array<i32>} : memref<2x128x128xi32, #tpu.memory_space<vmem>>, vector<16xi32>,
        %get3A_396 = arith.constant 0 : i32
        %get3A_397 = arith.index_cast %get3A_396 : i32 to index
        %get3A_398 = arith.index_cast %scan3A_258 : i32 to index
        %get3A_399 = arith.constant 80 : index
        %get3A_400 = tpu.vector_load %arg8[%get3A_397, %get3A_398, %get3A_399] {strides = array<i32>} : memref<2x128x128xi32, #tpu.memory_space<vmem>>, vector<16xi32>,
        %bitcast3A_401 = vector.bitcast %get3A_395 : vector<16xi32> to vector<32xbf16>
        %bitcast3A_402 = vector.bitcast %get3A_400 : vector<16xi32> to vector<32xbf16>
        %sub3A_403 = arith.subf %bitcast3A_401, %bitcast3A_402 : vector<32xbf16>
        %bitcast3A_404 = vector.bitcast %sub3A_403 : vector<32xbf16> to vector<16xi32>
        %shift_left3A_405 = arith.constant 16 : i32
        %shift_left3A_406 = vector.broadcast %shift_left3A_405 : i32 to vector<16xi32>
        %shift_left3A_407 = arith.shli %bitcast3A_404, %shift_left3A_406 : vector<16xi32>
        %bitcast3A_408 = vector.bitcast %shift_left3A_407 : vector<16xi32> to vector<16xf32>
        %and3A_409 = arith.constant -65536 : i32
        %and3A_410 = vector.broadcast %and3A_409 : i32 to vector<16xi32>
        %and3A_411 = arith.andi %bitcast3A_404, %and3A_410 : vector<16xi32>
        %bitcast3A_412 = vector.bitcast %and3A_411 : vector<16xi32> to vector<16xf32>
        %mul3A_413 = arith.mulf %bitcast3A_408, %bitcast3A_408 : vector<16xf32>
        %add3A_414 = arith.addf %add3A_390, %mul3A_413 : vector<16xf32>
        %mul3A_415 = arith.mulf %bitcast3A_412, %bitcast3A_412 : vector<16xf32>
        %add3A_416 = arith.addf %add3A_414, %mul3A_415 : vector<16xf32>
        %get3A_417 = arith.constant 0 : i32
        %get3A_418 = arith.index_cast %get3A_417 : i32 to index
        %get3A_419 = arith.index_cast %scan3A_258 : i32 to index
        %get3A_420 = arith.constant 96 : index
        %get3A_421 = tpu.vector_load %arg9[%get3A_418, %get3A_419, %get3A_420] {strides = array<i32>} : memref<2x128x128xi32, #tpu.memory_space<vmem>>, vector<16xi32>,
        %get3A_422 = arith.constant 0 : i32
        %get3A_423 = arith.index_cast %get3A_422 : i32 to index
        %get3A_424 = arith.index_cast %scan3A_258 : i32 to index
        %get3A_425 = arith.constant 96 : index
        %get3A_426 = tpu.vector_load %arg8[%get3A_423, %get3A_424, %get3A_425] {strides = array<i32>} : memref<2x128x128xi32, #tpu.memory_space<vmem>>, vector<16xi32>,
        %bitcast3A_427 = vector.bitcast %get3A_421 : vector<16xi32> to vector<32xbf16>
        %bitcast3A_428 = vector.bitcast %get3A_426 : vector<16xi32> to vector<32xbf16>
        %sub3A_429 = arith.subf %bitcast3A_427, %bitcast3A_428 : vector<32xbf16>
        %bitcast3A_430 = vector.bitcast %sub3A_429 : vector<32xbf16> to vector<16xi32>
        %shift_left3A_431 = arith.constant 16 : i32
        %shift_left3A_432 = vector.broadcast %shift_left3A_431 : i32 to vector<16xi32>
        %shift_left3A_433 = arith.shli %bitcast3A_430, %shift_left3A_432 : vector<16xi32>
        %bitcast3A_434 = vector.bitcast %shift_left3A_433 : vector<16xi32> to vector<16xf32>
        %and3A_435 = arith.constant -65536 : i32
        %and3A_436 = vector.broadcast %and3A_435 : i32 to vector<16xi32>
        %and3A_437 = arith.andi %bitcast3A_430, %and3A_436 : vector<16xi32>
        %bitcast3A_438 = vector.bitcast %and3A_437 : vector<16xi32> to vector<16xf32>
        %mul3A_439 = arith.mulf %bitcast3A_434, %bitcast3A_434 : vector<16xf32>
        %add3A_440 = arith.addf %add3A_416, %mul3A_439 : vector<16xf32>
        %mul3A_441 = arith.mulf %bitcast3A_438, %bitcast3A_438 : vector<16xf32>
        %add3A_442 = arith.addf %add3A_440, %mul3A_441 : vector<16xf32>
        %get3A_443 = arith.constant 0 : i32
        %get3A_444 = arith.index_cast %get3A_443 : i32 to index
        %get3A_445 = arith.index_cast %scan3A_258 : i32 to index
        %get3A_446 = arith.constant 112 : index
        %get3A_447 = tpu.vector_load %arg9[%get3A_444, %get3A_445, %get3A_446] {strides = array<i32>} : memref<2x128x128xi32, #tpu.memory_space<vmem>>, vector<16xi32>,
        %get3A_448 = arith.constant 0 : i32
        %get3A_449 = arith.index_cast %get3A_448 : i32 to index
        %get3A_450 = arith.index_cast %scan3A_258 : i32 to index
        %get3A_451 = arith.constant 112 : index
        %get3A_452 = tpu.vector_load %arg8[%get3A_449, %get3A_450, %get3A_451] {strides = array<i32>} : memref<2x128x128xi32, #tpu.memory_space<vmem>>, vector<16xi32>,
        %bitcast3A_453 = vector.bitcast %get3A_447 : vector<16xi32> to vector<32xbf16>
        %bitcast3A_454 = vector.bitcast %get3A_452 : vector<16xi32> to vector<32xbf16>
        %sub3A_455 = arith.subf %bitcast3A_453, %bitcast3A_454 : vector<32xbf16>
        %bitcast3A_456 = vector.bitcast %sub3A_455 : vector<32xbf16> to vector<16xi32>
        %shift_left3A_457 = arith.constant 16 : i32
        %shift_left3A_458 = vector.broadcast %shift_left3A_457 : i32 to vector<16xi32>
        %shift_left3A_459 = arith.shli %bitcast3A_456, %shift_left3A_458 : vector<16xi32>
        %bitcast3A_460 = vector.bitcast %shift_left3A_459 : vector<16xi32> to vector<16xf32>
        %and3A_461 = arith.constant -65536 : i32
        %and3A_462 = vector.broadcast %and3A_461 : i32 to vector<16xi32>
        %and3A_463 = arith.andi %bitcast3A_456, %and3A_462 : vector<16xi32>
        %bitcast3A_464 = vector.bitcast %and3A_463 : vector<16xi32> to vector<16xf32>
        %mul3A_465 = arith.mulf %bitcast3A_460, %bitcast3A_460 : vector<16xf32>
        %add3A_466 = arith.addf %add3A_442, %mul3A_465 : vector<16xf32>
        %mul3A_467 = arith.mulf %bitcast3A_464, %bitcast3A_464 : vector<16xf32>
        %add3A_468 = arith.addf %add3A_466, %mul3A_467 : vector<16xf32>
        %add3A_469 = arith.addi %add3A_173, %scan3A_258 : i32
        %lt3A_470 = vector.broadcast %add3A_469 : i32 to vector<16xi32>
        %lt3A_471 = arith.cmpi slt, %lt3A_470, %min3A_65 : vector<16xi32>
        %jit3A_472 = arith.constant 1.000000e+00 : f32
        %jit3A_473 = arith.constant 0.000000e+00 : f32
        %broadcast_in_dim3A_474 = vector.broadcast %jit3A_472 : f32 to vector<16xf32>
        %broadcast_in_dim3A_475 = vector.broadcast %jit3A_473 : f32 to vector<16xf32>
        %select_n3A_476 = arith.select %lt3A_471, %broadcast_in_dim3A_474, %broadcast_in_dim3A_475 : vector<16xi1>, vector<16xf32>
        %mul3A_477 = arith.mulf %select_n3A_476, %add3A_468 : vector<16xf32>
        %add3A_478 = arith.addf %scan3A_259, %mul3A_477 : vector<16xf32>
        %add3A_479 = arith.addf %scan3A_260, %select_n3A_476 : vector<16xf32>
        scf.yield %add3A_478, %add3A_479 : vector<16xf32>, vector<16xf32>
      }
      %scan3A_186 = arith.constant 128 : i32
      %swap3A_187 = arith.constant 0 : i32
      %swap3A_188 = arith.index_cast %swap3A_187 : i32 to index
      %swap3A_189 = arith.constant 0 : index
      %swap3A_190 = tpu.vector_load %arg11[%swap3A_188, %swap3A_189] {strides = array<i32>} : memref<2x16xf32, #tpu.memory_space<vmem>>, vector<16xf32>,
      tpu.vector_store %arg11[%swap3A_188, %swap3A_189], %scan3A_185#0 {strides = array<i32>} : memref<2x16xf32, #tpu.memory_space<vmem>>, vector<16xf32>,
      %swap3A_191 = arith.constant 1 : i32
      %swap3A_192 = arith.index_cast %swap3A_191 : i32 to index
      %swap3A_193 = arith.constant 0 : index
      %swap3A_194 = tpu.vector_load %arg11[%swap3A_192, %swap3A_193] {strides = array<i32>} : memref<2x16xf32, #tpu.memory_space<vmem>>, vector<16xf32>,
      tpu.vector_store %arg11[%swap3A_192, %swap3A_193], %scan3A_185#1 {strides = array<i32>} : memref<2x16xf32, #tpu.memory_space<vmem>>, vector<16xf32>,
      %add3A_195 = arith.constant 2 : i32
      %add3A_196 = arith.addi %add3A_111, %add3A_195 : i32
      %lt3A_197 = arith.constant 8 : i32
      %lt3A_198 = arith.cmpi slt, %add3A_196, %lt3A_197 : i32
      %convert_element_type3A = arith.extui %lt3A_198 : i1 to i32
      %cond3A = arith.constant 0 : i32
      %cond3A_199 = arith.cmpi ne, %convert_element_type3A, %cond3A : i32
      scf.if %cond3A_199 {
        %add3A_258 = arith.constant 2 : i32
        %add3A_259 = arith.addi %add3A_111, %add3A_258 : i32
        %mul3A_260 = arith.constant 128 : i32
        %mul3A_261 = arith.muli %add3A_259, %mul3A_260 : i32
        %mul3A_262 = arith.constant 128 : i32
        %mul3A_263 = arith.muli %add3A_259, %mul3A_262 : i32
        %add3A_264 = arith.addi %mul3A_32, %mul3A_263 : i32
        %dma_start3A_265 = arith.constant 0 : i32
        %dma_start3A_266 = arith.constant 0 : i32
        %dma_start3A_267 = arith.constant 0 : i32
        %dma_start3A_268 = tpu.memref_slice %arg8[%dma_start3A_265, %dma_start3A_266, %dma_start3A_267] : memref<2x128x128xi32, #tpu.memory_space<vmem>> -> memref<1x128x128xi32, #tpu.memory_space<vmem>>
        %dma_start3A_269 = tpu.memref_squeeze %dma_start3A_268 : memref<1x128x128xi32, #tpu.memory_space<vmem>> -> memref<128x128xi32, #tpu.memory_space<vmem>>
        %dma_start3A_270 = tpu.memref_slice %arg7[%mul3A_261] : memref<1024xi32, #tpu.memory_space<vmem>> -> memref<128xi32, #tpu.memory_space<vmem>>
        %dma_start3A_271 = arith.constant 0 : i32
        %dma_start3A_272 = arith.constant 0 : i32
        %dma_start3A_273 = tpu.memref_slice %arg4[%dma_start3A_271, %dma_start3A_272] : memref<8192x128xi32, #tpu.memory_space<hbm>> -> memref<8192x128xi32, #tpu.memory_space<hbm>>
        tpu.enqueue_indirect_dma source(%dma_start3A_273 : memref<8192x128xi32, #tpu.memory_space<hbm>>) target(%dma_start3A_269 : memref<128x128xi32, #tpu.memory_space<vmem>>) offsets(%dma_start3A_270 : memref<128xi32, #tpu.memory_space<vmem>>) semaphore(%arg12 : memref<!tpu.dma_semaphore, #tpu.memory_space<semaphore_mem>>)
        %dma_start3A_274 = arith.constant 0 : i32
        %dma_start3A_275 = arith.constant 0 : i32
        %dma_start3A_276 = arith.constant 0 : i32
        %dma_start3A_277 = tpu.memref_slice %arg9[%dma_start3A_274, %dma_start3A_275, %dma_start3A_276] : memref<2x128x128xi32, #tpu.memory_space<vmem>> -> memref<1x128x128xi32, #tpu.memory_space<vmem>>
        %dma_start3A_278 = tpu.memref_squeeze %dma_start3A_277 : memref<1x128x128xi32, #tpu.memory_space<vmem>> -> memref<128x128xi32, #tpu.memory_space<vmem>>
        %dma_start3A_279 = arith.constant 0 : i32
        %dma_start3A_280 = tpu.memref_slice %arg2[%select_n3A, %add3A_264, %dma_start3A_279] : memref<16x2048x128xi32, #tpu.memory_space<hbm>> -> memref<1x128x128xi32, #tpu.memory_space<hbm>>
        %dma_start3A_281 = tpu.memref_squeeze %dma_start3A_280 : memref<1x128x128xi32, #tpu.memory_space<hbm>> -> memref<128x128xi32, #tpu.memory_space<hbm>>
        %dma_start3A_282 = arith.constant 0 : i32
        %dma_start3A_283 = arith.constant 0 : i32
        %dma_start3A_284 = tpu.memref_slice %arg9[%dma_start3A_274, %dma_start3A_282, %dma_start3A_283] : memref<2x128x128xi32, #tpu.memory_space<vmem>> -> memref<1x128x128xi32, #tpu.memory_space<vmem>>
        %dma_start3A_285 = tpu.memref_squeeze %dma_start3A_284 : memref<1x128x128xi32, #tpu.memory_space<vmem>> -> memref<128x128xi32, #tpu.memory_space<vmem>>
        %dma_start3A_286 = arith.constant 0 : i32
        %dma_start3A_287 = tpu.memref_slice %arg2[%select_n3A, %add3A_264, %dma_start3A_286] : memref<16x2048x128xi32, #tpu.memory_space<hbm>> -> memref<1x128x128xi32, #tpu.memory_space<hbm>>
        %dma_start3A_288 = tpu.memref_squeeze %dma_start3A_287 : memref<1x128x128xi32, #tpu.memory_space<hbm>> -> memref<128x128xi32, #tpu.memory_space<hbm>>
        tpu.enqueue_dma source(%dma_start3A_288 : memref<128x128xi32, #tpu.memory_space<hbm>>) target(%dma_start3A_285 : memref<128x128xi32, #tpu.memory_space<vmem>>) target_semaphore(%arg13 : memref<!tpu.dma_semaphore, #tpu.memory_space<semaphore_mem>>)
      } else {
      }
      %add3A_200 = arith.constant 1 : i32
      %add3A_201 = arith.addi %add3A_111, %add3A_200 : i32
      %mul3A_202 = arith.constant 128 : i32
      %mul3A_203 = arith.muli %add3A_201, %mul3A_202 : i32
      %mul3A_204 = arith.constant 128 : i32
      %mul3A_205 = arith.muli %add3A_201, %mul3A_204 : i32
      %add3A_206 = arith.addi %mul3A_32, %mul3A_205 : i32
      %dma_wait3A_207 = arith.constant 1 : i32
      %dma_wait3A_208 = arith.constant 0 : i32
      %dma_wait3A_209 = arith.constant 0 : i32
      %dma_wait3A_210 = tpu.memref_slice %arg8[%dma_wait3A_207, %dma_wait3A_208, %dma_wait3A_209] : memref<2x128x128xi32, #tpu.memory_space<vmem>> -> memref<1x128x128xi32, #tpu.memory_space<vmem>>
      %dma_wait3A_211 = tpu.memref_squeeze %dma_wait3A_210 : memref<1x128x128xi32, #tpu.memory_space<vmem>> -> memref<128x128xi32, #tpu.memory_space<vmem>>
      %dma_wait3A_212 = tpu.memref_slice %arg7[%mul3A_203] : memref<1024xi32, #tpu.memory_space<vmem>> -> memref<128xi32, #tpu.memory_space<vmem>>
      %dma_wait3A_213 = arith.constant 0 : i32
      %dma_wait3A_214 = arith.constant 0 : i32
      %dma_wait3A_215 = tpu.memref_slice %arg4[%dma_wait3A_213, %dma_wait3A_214] : memref<8192x128xi32, #tpu.memory_space<hbm>> -> memref<8192x128xi32, #tpu.memory_space<hbm>>
      tpu.wait_indirect_dma semaphore(%arg14 : memref<!tpu.dma_semaphore, #tpu.memory_space<semaphore_mem>>) src(%dma_wait3A_215 : memref<8192x128xi32, #tpu.memory_space<hbm>>) dst(%dma_wait3A_211 : memref<128x128xi32, #tpu.memory_space<vmem>>)
      %dma_wait3A_216 = arith.constant 1 : i32
      %dma_wait3A_217 = arith.constant 0 : i32
      %dma_wait3A_218 = arith.constant 0 : i32
      %dma_wait3A_219 = tpu.memref_slice %arg9[%dma_wait3A_216, %dma_wait3A_217, %dma_wait3A_218] : memref<2x128x128xi32, #tpu.memory_space<vmem>> -> memref<1x128x128xi32, #tpu.memory_space<vmem>>
      %dma_wait3A_220 = tpu.memref_squeeze %dma_wait3A_219 : memref<1x128x128xi32, #tpu.memory_space<vmem>> -> memref<128x128xi32, #tpu.memory_space<vmem>>
      %dma_wait3A_221 = arith.constant 0 : i32
      %dma_wait3A_222 = tpu.memref_slice %arg2[%select_n3A, %add3A_206, %dma_wait3A_221] : memref<16x2048x128xi32, #tpu.memory_space<hbm>> -> memref<1x128x128xi32, #tpu.memory_space<hbm>>
      %dma_wait3A_223 = tpu.memref_squeeze %dma_wait3A_222 : memref<1x128x128xi32, #tpu.memory_space<hbm>> -> memref<128x128xi32, #tpu.memory_space<hbm>>
      %dma_wait3A_224 = arith.constant 0 : i32
      %dma_wait3A_225 = arith.constant 0 : i32
      %dma_wait3A_226 = tpu.memref_slice %arg9[%dma_wait3A_216, %dma_wait3A_224, %dma_wait3A_225] : memref<2x128x128xi32, #tpu.memory_space<vmem>> -> memref<1x128x128xi32, #tpu.memory_space<vmem>>
      %dma_wait3A_227 = tpu.memref_squeeze %dma_wait3A_226 : memref<1x128x128xi32, #tpu.memory_space<vmem>> -> memref<128x128xi32, #tpu.memory_space<vmem>>
      %dma_wait3A_228 = arith.constant 0 : i32
      %dma_wait3A_229 = tpu.memref_slice %arg2[%select_n3A, %add3A_206, %dma_wait3A_228] : memref<16x2048x128xi32, #tpu.memory_space<hbm>> -> memref<1x128x128xi32, #tpu.memory_space<hbm>>
      %dma_wait3A_230 = tpu.memref_squeeze %dma_wait3A_229 : memref<1x128x128xi32, #tpu.memory_space<hbm>> -> memref<128x128xi32, #tpu.memory_space<hbm>>
      tpu.wait_dma2 semaphore(%arg15 : memref<!tpu.dma_semaphore, #tpu.memory_space<semaphore_mem>>) src(%dma_wait3A_230 : memref<128x128xi32, #tpu.memory_space<hbm>>) dst(%dma_wait3A_227 : memref<128x128xi32, #tpu.memory_space<vmem>>)
      %add3A_231 = arith.constant 1 : i32
      %add3A_232 = arith.addi %add3A_111, %add3A_231 : i32
      %mul3A_233 = arith.constant 128 : i32
      %mul3A_234 = arith.muli %add3A_232, %mul3A_233 : i32
      %add3A_235 = arith.addi %mul3A_32, %mul3A_234 : i32
      %get3A_236 = arith.constant 0 : i32
      %get3A_237 = arith.index_cast %get3A_236 : i32 to index
      %get3A_238 = arith.constant 0 : index
      %get3A_239 = tpu.vector_load %arg11[%get3A_237, %get3A_238] {strides = array<i32>} : memref<2x16xf32, #tpu.memory_space<vmem>>, vector<16xf32>,
      %get3A_240 = arith.constant 1 : i32
      %get3A_241 = arith.index_cast %get3A_240 : i32 to index
      %get3A_242 = arith.constant 0 : index
      %get3A_243 = tpu.vector_load %arg11[%get3A_241, %get3A_242] {strides = array<i32>} : memref<2x16xf32, #tpu.memory_space<vmem>>, vector<16xf32>,
      %scan3A_244 = arith.constant 0 : i32
      %scan3A_245 = arith.constant 128 : i32
      %scan3A_246 = arith.addi %scan3A_244, %scan3A_245 : i32
      %scan3A_247 = arith.constant 1 : i32
      %scan3A_248:2 = scf.for %scan3A_258 = %scan3A_244 to %scan3A_246 step %scan3A_247 iter_args(%scan3A_259 = %get3A_239, %scan3A_260 = %get3A_243) -> (vector<16xf32>, vector<16xf32>)  : i32 {
        %broadcast_in_dim3A_261 = arith.constant 0.000000e+00 : f32
        %broadcast_in_dim3A_262 = vector.broadcast %broadcast_in_dim3A_261 : f32 to vector<16xf32>
        %get3A_263 = arith.constant 1 : i32
        %get3A_264 = arith.index_cast %get3A_263 : i32 to index
        %get3A_265 = arith.index_cast %scan3A_258 : i32 to index
        %get3A_266 = arith.constant 0 : index
        %get3A_267 = tpu.vector_load %arg9[%get3A_264, %get3A_265, %get3A_266] {strides = array<i32>} : memref<2x128x128xi32, #tpu.memory_space<vmem>>, vector<16xi32>,
        %get3A_268 = arith.constant 1 : i32
        %get3A_269 = arith.index_cast %get3A_268 : i32 to index
        %get3A_270 = arith.index_cast %scan3A_258 : i32 to index
        %get3A_271 = arith.constant 0 : index
        %get3A_272 = tpu.vector_load %arg8[%get3A_269, %get3A_270, %get3A_271] {strides = array<i32>} : memref<2x128x128xi32, #tpu.memory_space<vmem>>, vector<16xi32>,
        %bitcast3A = vector.bitcast %get3A_267 : vector<16xi32> to vector<32xbf16>
        %bitcast3A_273 = vector.bitcast %get3A_272 : vector<16xi32> to vector<32xbf16>
        %sub3A_274 = arith.subf %bitcast3A, %bitcast3A_273 : vector<32xbf16>
        %bitcast3A_275 = vector.bitcast %sub3A_274 : vector<32xbf16> to vector<16xi32>
        %shift_left3A = arith.constant 16 : i32
        %shift_left3A_276 = vector.broadcast %shift_left3A : i32 to vector<16xi32>
        %shift_left3A_277 = arith.shli %bitcast3A_275, %shift_left3A_276 : vector<16xi32>
        %bitcast3A_278 = vector.bitcast %shift_left3A_277 : vector<16xi32> to vector<16xf32>
        %and3A_279 = arith.constant -65536 : i32
        %and3A_280 = vector.broadcast %and3A_279 : i32 to vector<16xi32>
        %and3A_281 = arith.andi %bitcast3A_275, %and3A_280 : vector<16xi32>
        %bitcast3A_282 = vector.bitcast %and3A_281 : vector<16xi32> to vector<16xf32>
        %mul3A_283 = arith.mulf %bitcast3A_278, %bitcast3A_278 : vector<16xf32>
        %add3A_284 = arith.addf %broadcast_in_dim3A_262, %mul3A_283 : vector<16xf32>
        %mul3A_285 = arith.mulf %bitcast3A_282, %bitcast3A_282 : vector<16xf32>
        %add3A_286 = arith.addf %add3A_284, %mul3A_285 : vector<16xf32>
        %get3A_287 = arith.constant 1 : i32
        %get3A_288 = arith.index_cast %get3A_287 : i32 to index
        %get3A_289 = arith.index_cast %scan3A_258 : i32 to index
        %get3A_290 = arith.constant 16 : index
        %get3A_291 = tpu.vector_load %arg9[%get3A_288, %get3A_289, %get3A_290] {strides = array<i32>} : memref<2x128x128xi32, #tpu.memory_space<vmem>>, vector<16xi32>,
        %get3A_292 = arith.constant 1 : i32
        %get3A_293 = arith.index_cast %get3A_292 : i32 to index
        %get3A_294 = arith.index_cast %scan3A_258 : i32 to index
        %get3A_295 = arith.constant 16 : index
        %get3A_296 = tpu.vector_load %arg8[%get3A_293, %get3A_294, %get3A_295] {strides = array<i32>} : memref<2x128x128xi32, #tpu.memory_space<vmem>>, vector<16xi32>,
        %bitcast3A_297 = vector.bitcast %get3A_291 : vector<16xi32> to vector<32xbf16>
        %bitcast3A_298 = vector.bitcast %get3A_296 : vector<16xi32> to vector<32xbf16>
        %sub3A_299 = arith.subf %bitcast3A_297, %bitcast3A_298 : vector<32xbf16>
        %bitcast3A_300 = vector.bitcast %sub3A_299 : vector<32xbf16> to vector<16xi32>
        %shift_left3A_301 = arith.constant 16 : i32
        %shift_left3A_302 = vector.broadcast %shift_left3A_301 : i32 to vector<16xi32>
        %shift_left3A_303 = arith.shli %bitcast3A_300, %shift_left3A_302 : vector<16xi32>
        %bitcast3A_304 = vector.bitcast %shift_left3A_303 : vector<16xi32> to vector<16xf32>
        %and3A_305 = arith.constant -65536 : i32
        %and3A_306 = vector.broadcast %and3A_305 : i32 to vector<16xi32>
        %and3A_307 = arith.andi %bitcast3A_300, %and3A_306 : vector<16xi32>
        %bitcast3A_308 = vector.bitcast %and3A_307 : vector<16xi32> to vector<16xf32>
        %mul3A_309 = arith.mulf %bitcast3A_304, %bitcast3A_304 : vector<16xf32>
        %add3A_310 = arith.addf %add3A_286, %mul3A_309 : vector<16xf32>
        %mul3A_311 = arith.mulf %bitcast3A_308, %bitcast3A_308 : vector<16xf32>
        %add3A_312 = arith.addf %add3A_310, %mul3A_311 : vector<16xf32>
        %get3A_313 = arith.constant 1 : i32
        %get3A_314 = arith.index_cast %get3A_313 : i32 to index
        %get3A_315 = arith.index_cast %scan3A_258 : i32 to index
        %get3A_316 = arith.constant 32 : index
        %get3A_317 = tpu.vector_load %arg9[%get3A_314, %get3A_315, %get3A_316] {strides = array<i32>} : memref<2x128x128xi32, #tpu.memory_space<vmem>>, vector<16xi32>,
        %get3A_318 = arith.constant 1 : i32
        %get3A_319 = arith.index_cast %get3A_318 : i32 to index
        %get3A_320 = arith.index_cast %scan3A_258 : i32 to index
        %get3A_321 = arith.constant 32 : index
        %get3A_322 = tpu.vector_load %arg8[%get3A_319, %get3A_320, %get3A_321] {strides = array<i32>} : memref<2x128x128xi32, #tpu.memory_space<vmem>>, vector<16xi32>,
        %bitcast3A_323 = vector.bitcast %get3A_317 : vector<16xi32> to vector<32xbf16>
        %bitcast3A_324 = vector.bitcast %get3A_322 : vector<16xi32> to vector<32xbf16>
        %sub3A_325 = arith.subf %bitcast3A_323, %bitcast3A_324 : vector<32xbf16>
        %bitcast3A_326 = vector.bitcast %sub3A_325 : vector<32xbf16> to vector<16xi32>
        %shift_left3A_327 = arith.constant 16 : i32
        %shift_left3A_328 = vector.broadcast %shift_left3A_327 : i32 to vector<16xi32>
        %shift_left3A_329 = arith.shli %bitcast3A_326, %shift_left3A_328 : vector<16xi32>
        %bitcast3A_330 = vector.bitcast %shift_left3A_329 : vector<16xi32> to vector<16xf32>
        %and3A_331 = arith.constant -65536 : i32
        %and3A_332 = vector.broadcast %and3A_331 : i32 to vector<16xi32>
        %and3A_333 = arith.andi %bitcast3A_326, %and3A_332 : vector<16xi32>
        %bitcast3A_334 = vector.bitcast %and3A_333 : vector<16xi32> to vector<16xf32>
        %mul3A_335 = arith.mulf %bitcast3A_330, %bitcast3A_330 : vector<16xf32>
        %add3A_336 = arith.addf %add3A_312, %mul3A_335 : vector<16xf32>
        %mul3A_337 = arith.mulf %bitcast3A_334, %bitcast3A_334 : vector<16xf32>
        %add3A_338 = arith.addf %add3A_336, %mul3A_337 : vector<16xf32>
        %get3A_339 = arith.constant 1 : i32
        %get3A_340 = arith.index_cast %get3A_339 : i32 to index
        %get3A_341 = arith.index_cast %scan3A_258 : i32 to index
        %get3A_342 = arith.constant 48 : index
        %get3A_343 = tpu.vector_load %arg9[%get3A_340, %get3A_341, %get3A_342] {strides = array<i32>} : memref<2x128x128xi32, #tpu.memory_space<vmem>>, vector<16xi32>,
        %get3A_344 = arith.constant 1 : i32
        %get3A_345 = arith.index_cast %get3A_344 : i32 to index
        %get3A_346 = arith.index_cast %scan3A_258 : i32 to index
        %get3A_347 = arith.constant 48 : index
        %get3A_348 = tpu.vector_load %arg8[%get3A_345, %get3A_346, %get3A_347] {strides = array<i32>} : memref<2x128x128xi32, #tpu.memory_space<vmem>>, vector<16xi32>,
        %bitcast3A_349 = vector.bitcast %get3A_343 : vector<16xi32> to vector<32xbf16>
        %bitcast3A_350 = vector.bitcast %get3A_348 : vector<16xi32> to vector<32xbf16>
        %sub3A_351 = arith.subf %bitcast3A_349, %bitcast3A_350 : vector<32xbf16>
        %bitcast3A_352 = vector.bitcast %sub3A_351 : vector<32xbf16> to vector<16xi32>
        %shift_left3A_353 = arith.constant 16 : i32
        %shift_left3A_354 = vector.broadcast %shift_left3A_353 : i32 to vector<16xi32>
        %shift_left3A_355 = arith.shli %bitcast3A_352, %shift_left3A_354 : vector<16xi32>
        %bitcast3A_356 = vector.bitcast %shift_left3A_355 : vector<16xi32> to vector<16xf32>
        %and3A_357 = arith.constant -65536 : i32
        %and3A_358 = vector.broadcast %and3A_357 : i32 to vector<16xi32>
        %and3A_359 = arith.andi %bitcast3A_352, %and3A_358 : vector<16xi32>
        %bitcast3A_360 = vector.bitcast %and3A_359 : vector<16xi32> to vector<16xf32>
        %mul3A_361 = arith.mulf %bitcast3A_356, %bitcast3A_356 : vector<16xf32>
        %add3A_362 = arith.addf %add3A_338, %mul3A_361 : vector<16xf32>
        %mul3A_363 = arith.mulf %bitcast3A_360, %bitcast3A_360 : vector<16xf32>
        %add3A_364 = arith.addf %add3A_362, %mul3A_363 : vector<16xf32>
        %get3A_365 = arith.constant 1 : i32
        %get3A_366 = arith.index_cast %get3A_365 : i32 to index
        %get3A_367 = arith.index_cast %scan3A_258 : i32 to index
        %get3A_368 = arith.constant 64 : index
        %get3A_369 = tpu.vector_load %arg9[%get3A_366, %get3A_367, %get3A_368] {strides = array<i32>} : memref<2x128x128xi32, #tpu.memory_space<vmem>>, vector<16xi32>,
        %get3A_370 = arith.constant 1 : i32
        %get3A_371 = arith.index_cast %get3A_370 : i32 to index
        %get3A_372 = arith.index_cast %scan3A_258 : i32 to index
        %get3A_373 = arith.constant 64 : index
        %get3A_374 = tpu.vector_load %arg8[%get3A_371, %get3A_372, %get3A_373] {strides = array<i32>} : memref<2x128x128xi32, #tpu.memory_space<vmem>>, vector<16xi32>,
        %bitcast3A_375 = vector.bitcast %get3A_369 : vector<16xi32> to vector<32xbf16>
        %bitcast3A_376 = vector.bitcast %get3A_374 : vector<16xi32> to vector<32xbf16>
        %sub3A_377 = arith.subf %bitcast3A_375, %bitcast3A_376 : vector<32xbf16>
        %bitcast3A_378 = vector.bitcast %sub3A_377 : vector<32xbf16> to vector<16xi32>
        %shift_left3A_379 = arith.constant 16 : i32
        %shift_left3A_380 = vector.broadcast %shift_left3A_379 : i32 to vector<16xi32>
        %shift_left3A_381 = arith.shli %bitcast3A_378, %shift_left3A_380 : vector<16xi32>
        %bitcast3A_382 = vector.bitcast %shift_left3A_381 : vector<16xi32> to vector<16xf32>
        %and3A_383 = arith.constant -65536 : i32
        %and3A_384 = vector.broadcast %and3A_383 : i32 to vector<16xi32>
        %and3A_385 = arith.andi %bitcast3A_378, %and3A_384 : vector<16xi32>
        %bitcast3A_386 = vector.bitcast %and3A_385 : vector<16xi32> to vector<16xf32>
        %mul3A_387 = arith.mulf %bitcast3A_382, %bitcast3A_382 : vector<16xf32>
        %add3A_388 = arith.addf %add3A_364, %mul3A_387 : vector<16xf32>
        %mul3A_389 = arith.mulf %bitcast3A_386, %bitcast3A_386 : vector<16xf32>
        %add3A_390 = arith.addf %add3A_388, %mul3A_389 : vector<16xf32>
        %get3A_391 = arith.constant 1 : i32
        %get3A_392 = arith.index_cast %get3A_391 : i32 to index
        %get3A_393 = arith.index_cast %scan3A_258 : i32 to index
        %get3A_394 = arith.constant 80 : index
        %get3A_395 = tpu.vector_load %arg9[%get3A_392, %get3A_393, %get3A_394] {strides = array<i32>} : memref<2x128x128xi32, #tpu.memory_space<vmem>>, vector<16xi32>,
        %get3A_396 = arith.constant 1 : i32
        %get3A_397 = arith.index_cast %get3A_396 : i32 to index
        %get3A_398 = arith.index_cast %scan3A_258 : i32 to index
        %get3A_399 = arith.constant 80 : index
        %get3A_400 = tpu.vector_load %arg8[%get3A_397, %get3A_398, %get3A_399] {strides = array<i32>} : memref<2x128x128xi32, #tpu.memory_space<vmem>>, vector<16xi32>,
        %bitcast3A_401 = vector.bitcast %get3A_395 : vector<16xi32> to vector<32xbf16>
        %bitcast3A_402 = vector.bitcast %get3A_400 : vector<16xi32> to vector<32xbf16>
        %sub3A_403 = arith.subf %bitcast3A_401, %bitcast3A_402 : vector<32xbf16>
        %bitcast3A_404 = vector.bitcast %sub3A_403 : vector<32xbf16> to vector<16xi32>
        %shift_left3A_405 = arith.constant 16 : i32
        %shift_left3A_406 = vector.broadcast %shift_left3A_405 : i32 to vector<16xi32>
        %shift_left3A_407 = arith.shli %bitcast3A_404, %shift_left3A_406 : vector<16xi32>
        %bitcast3A_408 = vector.bitcast %shift_left3A_407 : vector<16xi32> to vector<16xf32>
        %and3A_409 = arith.constant -65536 : i32
        %and3A_410 = vector.broadcast %and3A_409 : i32 to vector<16xi32>
        %and3A_411 = arith.andi %bitcast3A_404, %and3A_410 : vector<16xi32>
        %bitcast3A_412 = vector.bitcast %and3A_411 : vector<16xi32> to vector<16xf32>
        %mul3A_413 = arith.mulf %bitcast3A_408, %bitcast3A_408 : vector<16xf32>
        %add3A_414 = arith.addf %add3A_390, %mul3A_413 : vector<16xf32>
        %mul3A_415 = arith.mulf %bitcast3A_412, %bitcast3A_412 : vector<16xf32>
        %add3A_416 = arith.addf %add3A_414, %mul3A_415 : vector<16xf32>
        %get3A_417 = arith.constant 1 : i32
        %get3A_418 = arith.index_cast %get3A_417 : i32 to index
        %get3A_419 = arith.index_cast %scan3A_258 : i32 to index
        %get3A_420 = arith.constant 96 : index
        %get3A_421 = tpu.vector_load %arg9[%get3A_418, %get3A_419, %get3A_420] {strides = array<i32>} : memref<2x128x128xi32, #tpu.memory_space<vmem>>, vector<16xi32>,
        %get3A_422 = arith.constant 1 : i32
        %get3A_423 = arith.index_cast %get3A_422 : i32 to index
        %get3A_424 = arith.index_cast %scan3A_258 : i32 to index
        %get3A_425 = arith.constant 96 : index
        %get3A_426 = tpu.vector_load %arg8[%get3A_423, %get3A_424, %get3A_425] {strides = array<i32>} : memref<2x128x128xi32, #tpu.memory_space<vmem>>, vector<16xi32>,
        %bitcast3A_427 = vector.bitcast %get3A_421 : vector<16xi32> to vector<32xbf16>
        %bitcast3A_428 = vector.bitcast %get3A_426 : vector<16xi32> to vector<32xbf16>
        %sub3A_429 = arith.subf %bitcast3A_427, %bitcast3A_428 : vector<32xbf16>
        %bitcast3A_430 = vector.bitcast %sub3A_429 : vector<32xbf16> to vector<16xi32>
        %shift_left3A_431 = arith.constant 16 : i32
        %shift_left3A_432 = vector.broadcast %shift_left3A_431 : i32 to vector<16xi32>
        %shift_left3A_433 = arith.shli %bitcast3A_430, %shift_left3A_432 : vector<16xi32>
        %bitcast3A_434 = vector.bitcast %shift_left3A_433 : vector<16xi32> to vector<16xf32>
        %and3A_435 = arith.constant -65536 : i32
        %and3A_436 = vector.broadcast %and3A_435 : i32 to vector<16xi32>
        %and3A_437 = arith.andi %bitcast3A_430, %and3A_436 : vector<16xi32>
        %bitcast3A_438 = vector.bitcast %and3A_437 : vector<16xi32> to vector<16xf32>
        %mul3A_439 = arith.mulf %bitcast3A_434, %bitcast3A_434 : vector<16xf32>
        %add3A_440 = arith.addf %add3A_416, %mul3A_439 : vector<16xf32>
        %mul3A_441 = arith.mulf %bitcast3A_438, %bitcast3A_438 : vector<16xf32>
        %add3A_442 = arith.addf %add3A_440, %mul3A_441 : vector<16xf32>
        %get3A_443 = arith.constant 1 : i32
        %get3A_444 = arith.index_cast %get3A_443 : i32 to index
        %get3A_445 = arith.index_cast %scan3A_258 : i32 to index
        %get3A_446 = arith.constant 112 : index
        %get3A_447 = tpu.vector_load %arg9[%get3A_444, %get3A_445, %get3A_446] {strides = array<i32>} : memref<2x128x128xi32, #tpu.memory_space<vmem>>, vector<16xi32>,
        %get3A_448 = arith.constant 1 : i32
        %get3A_449 = arith.index_cast %get3A_448 : i32 to index
        %get3A_450 = arith.index_cast %scan3A_258 : i32 to index
        %get3A_451 = arith.constant 112 : index
        %get3A_452 = tpu.vector_load %arg8[%get3A_449, %get3A_450, %get3A_451] {strides = array<i32>} : memref<2x128x128xi32, #tpu.memory_space<vmem>>, vector<16xi32>,
        %bitcast3A_453 = vector.bitcast %get3A_447 : vector<16xi32> to vector<32xbf16>
        %bitcast3A_454 = vector.bitcast %get3A_452 : vector<16xi32> to vector<32xbf16>
        %sub3A_455 = arith.subf %bitcast3A_453, %bitcast3A_454 : vector<32xbf16>
        %bitcast3A_456 = vector.bitcast %sub3A_455 : vector<32xbf16> to vector<16xi32>
        %shift_left3A_457 = arith.constant 16 : i32
        %shift_left3A_458 = vector.broadcast %shift_left3A_457 : i32 to vector<16xi32>
        %shift_left3A_459 = arith.shli %bitcast3A_456, %shift_left3A_458 : vector<16xi32>
        %bitcast3A_460 = vector.bitcast %shift_left3A_459 : vector<16xi32> to vector<16xf32>
        %and3A_461 = arith.constant -65536 : i32
        %and3A_462 = vector.broadcast %and3A_461 : i32 to vector<16xi32>
        %and3A_463 = arith.andi %bitcast3A_456, %and3A_462 : vector<16xi32>
        %bitcast3A_464 = vector.bitcast %and3A_463 : vector<16xi32> to vector<16xf32>
        %mul3A_465 = arith.mulf %bitcast3A_460, %bitcast3A_460 : vector<16xf32>
        %add3A_466 = arith.addf %add3A_442, %mul3A_465 : vector<16xf32>
        %mul3A_467 = arith.mulf %bitcast3A_464, %bitcast3A_464 : vector<16xf32>
        %add3A_468 = arith.addf %add3A_466, %mul3A_467 : vector<16xf32>
        %add3A_469 = arith.addi %add3A_235, %scan3A_258 : i32
        %lt3A_470 = vector.broadcast %add3A_469 : i32 to vector<16xi32>
        %lt3A_471 = arith.cmpi slt, %lt3A_470, %min3A_65 : vector<16xi32>
        %jit3A_472 = arith.constant 1.000000e+00 : f32
        %jit3A_473 = arith.constant 0.000000e+00 : f32
        %broadcast_in_dim3A_474 = vector.broadcast %jit3A_472 : f32 to vector<16xf32>
        %broadcast_in_dim3A_475 = vector.broadcast %jit3A_473 : f32 to vector<16xf32>
        %select_n3A_476 = arith.select %lt3A_471, %broadcast_in_dim3A_474, %broadcast_in_dim3A_475 : vector<16xi1>, vector<16xf32>
        %mul3A_477 = arith.mulf %select_n3A_476, %add3A_468 : vector<16xf32>
        %add3A_478 = arith.addf %scan3A_259, %mul3A_477 : vector<16xf32>
        %add3A_479 = arith.addf %scan3A_260, %select_n3A_476 : vector<16xf32>
        scf.yield %add3A_478, %add3A_479 : vector<16xf32>, vector<16xf32>
      }
      %scan3A_249 = arith.constant 128 : i32
      %swap3A_250 = arith.constant 0 : i32
      %swap3A_251 = arith.index_cast %swap3A_250 : i32 to index
      %swap3A_252 = arith.constant 0 : index
      %swap3A_253 = tpu.vector_load %arg11[%swap3A_251, %swap3A_252] {strides = array<i32>} : memref<2x16xf32, #tpu.memory_space<vmem>>, vector<16xf32>,
      tpu.vector_store %arg11[%swap3A_251, %swap3A_252], %scan3A_248#0 {strides = array<i32>} : memref<2x16xf32, #tpu.memory_space<vmem>>, vector<16xf32>,
      %swap3A_254 = arith.constant 1 : i32
      %swap3A_255 = arith.index_cast %swap3A_254 : i32 to index
      %swap3A_256 = arith.constant 0 : index
      %swap3A_257 = tpu.vector_load %arg11[%swap3A_255, %swap3A_256] {strides = array<i32>} : memref<2x16xf32, #tpu.memory_space<vmem>>, vector<16xf32>,
      tpu.vector_store %arg11[%swap3A_255, %swap3A_256], %scan3A_248#1 {strides = array<i32>} : memref<2x16xf32, #tpu.memory_space<vmem>>, vector<16xf32>,
    }
    %scan3A_106 = arith.constant 4 : i32
    "tpu.region"() ({
      %run_scoped3A = tpu.sem_alloc : memref<!tpu.dma_semaphore, #tpu.memory_space<semaphore_mem>>
      %dma_start3A_107 = arith.constant 0 : i32
      %dma_start3A_108 = arith.constant 0 : i32
      %dma_start3A_109 = tpu.memref_slice %arg6[%add3A, %dma_start3A_107, %dma_start3A_108] : memref<32x2x16xf32, #tpu.memory_space<hbm>> -> memref<1x2x16xf32, #tpu.memory_space<hbm>>
      %dma_start3A_110 = tpu.memref_squeeze %dma_start3A_109 : memref<1x2x16xf32, #tpu.memory_space<hbm>> -> memref<2x16xf32, #tpu.memory_space<hbm>>
      %dma_start3A_111 = arith.constant 0 : i32
      %dma_start3A_112 = arith.constant 0 : i32
      %dma_start3A_113 = tpu.memref_slice %arg6[%add3A, %dma_start3A_111, %dma_start3A_112] : memref<32x2x16xf32, #tpu.memory_space<hbm>> -> memref<1x2x16xf32, #tpu.memory_space<hbm>>
      %dma_start3A_114 = tpu.memref_squeeze %dma_start3A_113 : memref<1x2x16xf32, #tpu.memory_space<hbm>> -> memref<2x16xf32, #tpu.memory_space<hbm>>
      tpu.enqueue_dma source(%arg11 : memref<2x16xf32, #tpu.memory_space<vmem>>) target(%dma_start3A_114 : memref<2x16xf32, #tpu.memory_space<hbm>>) target_semaphore(%run_scoped3A : memref<!tpu.dma_semaphore, #tpu.memory_space<semaphore_mem>>)
      %dma_wait3A = arith.constant 0 : i32
      %dma_wait3A_115 = arith.constant 0 : i32
      %dma_wait3A_116 = tpu.memref_slice %arg6[%add3A, %dma_wait3A, %dma_wait3A_115] : memref<32x2x16xf32, #tpu.memory_space<hbm>> -> memref<1x2x16xf32, #tpu.memory_space<hbm>>
      %dma_wait3A_117 = tpu.memref_squeeze %dma_wait3A_116 : memref<1x2x16xf32, #tpu.memory_space<hbm>> -> memref<2x16xf32, #tpu.memory_space<hbm>>
      %dma_wait3A_118 = arith.constant 0 : i32
      %dma_wait3A_119 = arith.constant 0 : i32
      %dma_wait3A_120 = tpu.memref_slice %arg6[%add3A, %dma_wait3A_118, %dma_wait3A_119] : memref<32x2x16xf32, #tpu.memory_space<hbm>> -> memref<1x2x16xf32, #tpu.memory_space<hbm>>
      %dma_wait3A_121 = tpu.memref_squeeze %dma_wait3A_120 : memref<1x2x16xf32, #tpu.memory_space<hbm>> -> memref<2x16xf32, #tpu.memory_space<hbm>>
      tpu.wait_dma2 semaphore(%run_scoped3A : memref<!tpu.dma_semaphore, #tpu.memory_space<semaphore_mem>>) src(%arg11 : memref<2x16xf32, #tpu.memory_space<vmem>>) dst(%dma_wait3A_121 : memref<2x16xf32, #tpu.memory_space<hbm>>)
      tpu.yield
    }) : () -> ()
    return
  }
}

</mosaic_0001>

<sc_bundles>
// kernel: _sc_vq_loss_partials.3.cloned.1.call-start
scs
__scs_entry_jumppad:
0x0: {  	(pc) =	sbr.rel $0x88, $3  }
0x1: {  	(tag) =	ssettag $0x0;
	lr =	simm.s32 $0x1  }
0x2: {  	[smem:$0x3F9D] =	sst lr;
	_ =	strace $0xD0000000  }
0x3: {  	_ = 	snop  }
0x4: {  	_ = 	snop  }
0x5: {  	_ = 	snop  }
0x6: {  	_ = 	snop  }
0x7: {  	_ = 	snop  }
__scs_overlays_trampoline_lowered:
0x8: {  	[smem:$0x3FAC] =	sst s0  }
0x9: {  	[smem:$0x3FAD] =	sst s1  }
0xa: {  	[smem:$0x3FAE] =	sst s2  }
0xb: {  	[smem:$0x3FAF] =	sst s3  }
0xc: {  	[smem:$0x3FB0] =	sst s4  }
0xd: {  	[smem:$0x3FB1] =	sst s5  }
0xe: {  	[smem:$0x3FB2] =	sst s6  }
0xf: {  	[smem:$0x3FB3] =	sst s7  }
0x10: {  	[smem:$0x3FB4] =	sst s8  }
0x11: {  	[smem:$0x3FB5] =	sst s9;
	s0 =	simm.s32 @!p0 $0x0  }
0x12: {  	s1 =	sld [smem:$0x3F9B];
	s0 =	simm.s32 @p0 $0x1  }
0x13: {  	[smem:$0x3FB6] =	sst s0;
	s0 =	simm.s32 @!p1 $0x0  }
0x14: {  	s2 =	sld [smem:$0x3F9A];
	s0 =	simm.s32 @p1 $0x1  }
0x15: {  	[smem:$0x3FB7] =	sst s0;
	s0 =	simm.s32 @!p2 $0x0  }
0x16: {  	s3 =	sld [smem:$0x3FDB];
	s0 =	simm.s32 @p2 $0x1  }
0x17: {  	s4 =	simm.s32 $0x1BF5;
	[smem:$0x3FB9] =	sst s0  }
0x18: {  	s0 =	sld [smem:$0x3F9C];
	_ =	swait.ge [sflag:s4], $0x0  }
0x19: {  	s7 =	sld [smem:$0x3F9D]  }
0x1a: {  	s8 =	sadd.s32 $0xFFFFE003, lr  }
0x1b: {  	s9 =	sadd.s32 $0xFFFFFEF7, lr;
	s5 =	simm.s32 $0xFFFFFFFF;
	p2 =	slt.u32 s8, $0xFFFFF086  }
0x1c: {  	p1 =	slt.u32 s9, $0xF7A;
	s5 =	simm.s32 @!p2 $0x0  }
0x1d: {  	s5 =	simm.s32 @p1 $0x1;
	p0 =	seq.s32 s7, s2  }
0x1e: {  	s7 =	smul.u32 @!p0 $0xF7A, s2;
	p2 =	seq.s32 @!p0 s5, $0x0  }
0x1f: {  	s9 =	smul.u32 $0xF7A, s1;
	s8 =	simm.s32 @!p0 $0x1BF5;
	p2 =	por !p2, p0  }
0x20: {  	[sflag:s8] =	ssyncset.s32 @!p0 $0xFFFFF086;
	s6 =	sadd.s32 @!p0 s3, s7;
	s7 =	simm.s32 @!p0 $0x108  }
0x21: {  	s3 =	sadd.s32 s3, s9;
	s6 =	sadd.s32 @!p0 $0x88, s6;
	s7 =	simm.s32 @p2 $0x1082  }
0x22: {  	[simem:s7], [sflag:s8] =	dma.local @!p0 [hbm:s6], $0xF7A  }
0x23: {  	s9 =	sor.u32 $0xD0000000, s2;
	s6 =	simm.s32 $0x108;
	_ =	swait.ge @!p0 [sflag:s8], $0x0  }
0x24: {  	s3 =	sadd.s32 $0x88, s3;
	s6 =	simm.s32 @!p1 $0x1082;
	[sflag:s4] =	ssyncset.s32 $0xFFFFF086  }
0x25: {  	[simem:s6], [sflag:s4] =	dma.local [hbm:s3], $0xF7A  }
0x26: {  	[smem:$0x3F9D] =	sst s1;
	(tag) =	ssettag s2;
	_ =	strace s9  }
0x27: {  	s1 =	sld [smem:$0x3FAD]  }
0x28: {  	s2 =	sld [smem:$0x3FAE]  }
0x29: {  	s4 =	sld [smem:$0x3FB0]  }
0x2a: {  	p0 =	seq.s32 s5, $0x0;
	s5 =	sld [smem:$0x3FB1]  }
0x2b: {  	s6 =	sld [smem:$0x3FB2]  }
0x2c: {  	s7 =	sld [smem:$0x3FB3]  }
0x2d: {  	s3 =	simm.s32 $0x108;
	s8 =	sld [smem:$0x3FB4]  }
0x2e: {  	s3 =	simm.s32 @!p0 $0x1082;
	s9 =	sld [smem:$0x3FB5]  }
0x2f: {  	lr =	sadd.s32 s0, s3;
	s0 =	sld [smem:$0x3FAC]  }
0x30: {  	s3 =	sld [smem:$0x3FAF]  }
0x31: {  	[smem:$0x3FB8] =	sst s10  }
0x32: {  	s10 =	sld [smem:$0x3FB6];
	_ =	sdelay $0x3  }
0x33: {  	p0 =	seq.s32 s10, $0x1;
	s10 =	sld [smem:$0x3FB8];
	_ =	sdelay $0x3  }
0x34: {  	[smem:$0x3FB8] =	sst s10  }
0x35: {  	s10 =	sld [smem:$0x3FB7];
	_ =	sdelay $0x3  }
0x36: {  	p1 =	seq.s32 s10, $0x1;
	s10 =	sld [smem:$0x3FB8];
	_ =	sdelay $0x3  }
0x37: {  	[smem:$0x3FB8] =	sst s10  }
0x38: {  	s10 =	sld [smem:$0x3FB9]  }
0x39: {  	_ = 	snop;
	(pc) =	sbr.ind lr, $3  }
0x3a: {  	_ = 	snop  }
0x3b: {  	_ = 	snop  }
0x3c: {  	p2 =	seq.s32 s10, $0x1;
	s10 =	sld [smem:$0x3FB8]  }
0x3d: {  	_ =	shalt  }
0x3e: {  	_ =	shalt  }
0x3f: {  	_ =	shalt  }
0x40: {  	_ =	shalt  }
0x41: {  	_ =	shalt  }
0x42: {  	_ =	shalt  }
0x43: {  	_ =	shalt  }
0x44: {  	_ =	shalt  }
0x45: {  	_ =	shalt  }
0x46: {  	_ =	shalt  }
0x47: {  	_ =	shalt  }
0x48: {  	_ =	shalt  }
0x49: {  	_ =	shalt  }
0x4a: {  	_ =	shalt  }
0x4b: {  	_ =	shalt  }
0x4c: {  	_ =	shalt  }
0x4d: {  	_ =	shalt  }
0x4e: {  	_ =	shalt  }
0x4f: {  	_ =	shalt  }
0x50: {  	_ =	shalt  }
0x51: {  	_ =	shalt  }
0x52: {  	_ =	shalt  }
0x53: {  	_ =	shalt  }
0x54: {  	_ =	shalt  }
0x55: {  	_ =	shalt  }
0x56: {  	_ =	shalt  }
0x57: {  	_ =	shalt  }
0x58: {  	_ =	shalt  }
0x59: {  	_ =	shalt  }
0x5a: {  	_ =	shalt  }
0x5b: {  	_ =	shalt  }
0x5c: {  	_ =	shalt  }
0x5d: {  	_ =	shalt  }
0x5e: {  	_ =	shalt  }
0x5f: {  	_ =	shalt  }
0x60: {  	_ =	shalt  }
0x61: {  	_ =	shalt  }
0x62: {  	_ =	shalt  }
0x63: {  	_ =	shalt  }
0x64: {  	_ =	shalt  }
0x65: {  	_ =	shalt  }
0x66: {  	_ =	shalt  }
0x67: {  	_ =	shalt  }
0x68: {  	_ =	shalt  }
0x69: {  	_ =	shalt  }
0x6a: {  	_ =	shalt  }
0x6b: {  	_ =	shalt  }
0x6c: {  	_ =	shalt  }
0x6d: {  	_ =	shalt  }
0x6e: {  	_ =	shalt  }
0x6f: {  	_ =	shalt  }
0x70: {  	_ =	shalt  }
0x71: {  	_ =	shalt  }
0x72: {  	_ =	shalt  }
0x73: {  	_ =	shalt  }
0x74: {  	_ =	shalt  }
0x75: {  	_ =	shalt  }
0x76: {  	_ =	shalt  }
0x77: {  	_ =	shalt  }
0x78: {  	_ =	shalt  }
0x79: {  	_ =	shalt  }
0x7a: {  	_ =	shalt  }
0x7b: {  	_ =	shalt  }
0x7c: {  	_ =	shalt  }
0x7d: {  	_ =	shalt  }
0x7e: {  	_ =	shalt  }
0x7f: {  	_ =	shalt  }
0x80: {  	_ =	shalt  }
0x81: {  	_ =	shalt  }
0x82: {  	_ =	shalt  }
0x83: {  	_ =	shalt  }
0x84: {  	_ =	shalt  }
0x85: {  	_ =	shalt  }
0x86: {  	_ =	shalt  }
0x87: {  	_ =	shalt  }
.Lfunc_end0:
.L_simem_size_0:
called_computation_lowered:
.L_overlay_start_0:
0x88: {  	s2 =	sld [smem:$0x3FD9]  }
0x89: {  	s3 =	sld [smem:$0x3FFE];
	_ =	sdelay $0x1  }
0x8a: {  	s1 =	srdreg.scid  }
0x8b: {  	s0 =	sand.u32 $0x1, s1  }
0x8c: {  	s17 =	sshll.u32 s0, $0xA;
	s2 =	sadd.s32 s3, s2  }
0x8d: {  	s2 =	sadd.s32 s2, s17  }
0x8e: {  	[smem:$0x3FC4] =	sst s2  }
0x8f: {  	_ = 	snop  }
0x90: {  	s2 =	sld [smem:$0x3FC9]  }
0x91: {  	s18 =	sld [smem:$0x3FC8]  }
0x92: {  	s4 =	sld [smem:$0x3FC7]  }
0x93: {  	s5 =	sld [smem:$0x3FC6];
	(tm) =	ssettm $0x1  }
0x94: {  	s6 =	sld [smem:$0x3FFB];
	_ =	sdelay $0x3  }
0x95: {  	_ =	strace s6  }
0x96: {  	s6 =	sld [smem:$0x3FFC];
	_ =	sdelay $0x3  }
0x97: {  	_ =	strace s6  }
0x98: {  	s6 =	sld [smem:$0x3FFD];
	_ =	sdelay $0x3  }
0x99: {  	_ =	strace s6  }
0x9a: {  	_ =	strace $0x8FFFFFFF  }
0x9b: {  	s19 =	sld [smem:$0x3FDB];
	_ =	sdelay $0x1  }
0x9c: {  	s7 =	simm.s32 $_scs_section_size  }
0x9d: {  	s8 =	simm.s32 $_size__tile_overlayer_lowered;
	s9 =	simm.s32 $_tile_overlayer_lowered  }
0x9e: {  	s22 =	simm.s32 $0x1BFF;
	s21 =	sshll.u32 s9, $0x1;
	s6 =	sadd.s32 s7, s19  }
0x9f: {  	s10 =	simm.s32 $0x0;
	s20 =	sshll.u32 s8, $0x1;
	s8 =	sadd.s32 s21, s6  }
0xa0: {  	[timem:s10], [sflag:s22] =	dma.local [hbm:s8], s20  }
0xa1: {  	_ =	swait.ge [sflag:s22], s20  }
0xa2: {  	s7 =	ssub.s32 $0x0, s20;
	[sflag:s22] =	ssyncset.done $0x0  }
0xa3: {  	[sflag:s22] =	ssyncadd.s32 s7;
	_ =	sdelay $0x1  }
0xa4: {  	s23 =	simm.s32 $0x1B8B  }
0xa5: {  	_ =	swait.ge [sflag:s23], $0x1  }
0xa6: {  	[sflag:s23] =	ssyncset.done $0x0  }
0xa7: {  	s25 =	simm.s32 $0x1B8E;
	s24 =	sld [smem:$0x3FFE];
	[sflag:s23] =	ssyncadd.s32 $0xFFFFFFFF  }
0xa8: {  	s26 =	simm.s32 $execute0_lowered;
	[smem:$0x3FD2] =	sst s25  }
0xa9: {  	s8 =	sshll.u32 s26, $0x1;
	_ =	strace $0x80000046;
	[dreg:$0x1] =	wrdreg $0xFFFFFFFF  }
0xaa: {  	s28 =	simm.s32 $_size_execute0_lowered;
	s6 =	sadd.s32 s6, s8;
	[dreg:$0x0] =	wrdreg $0x0  }
0xab: {  	s8 =	sshll.u32 s28, $0x1;
	[dreg:$0x2] =	wrdreg s6  }
0xac: {  	[dreg:$0x3] =	wrdreg s8  }
0xad: {  	[dreg:$0x4] =	wrdreg $0xC0  }
0xae: {  	_ =	task [dreg:s10], $0x5FFFF  }
0xaf: {  	[dreg:$0x1] =	wrdreg $0xFFFFFFFF  }
0xb0: {  	[dreg:$0x0] =	wrdreg $0x60  }
0xb1: {  	[dreg:$0x2] =	wrdreg s2  }
0xb2: {  	[dreg:$0x3] =	wrdreg s18  }
0xb3: {  	[dreg:$0x4] =	wrdreg s4  }
0xb4: {  	[dreg:$0x5] =	wrdreg s5  }
0xb5: {  	[dreg:$0x6] =	wrdreg s24  }
0xb6: {  	[dreg:$0x7] =	wrdreg $0x9  }
0xb7: {  	_ =	task.clear_ibuf [dreg:s10], $0x8FFFF;
	_ =	strace $0x90000046  }
0xb8: {  	s29 =	simm.s32 $0x9;
	_ =	strace $0x80000048  }
0xb9: {  	_ =	swait.ge [sflag:s29], $0x1  }
0xba: {  	[sflag:s29] =	ssyncadd.s32 $0xFFFFFFFF  }
0xbb: {  	_ =	strace $0x90000048  }
0xbc: {  	_ =	sfence  }
0xbd: {  	s30 =	sld [smem:$0x0];
	_ =	sdelay $0x2  }
0xbe: {  	s31 =	sshll.u32 s1, $0xD;
	s1 =	sshrl.u32 s1, $0x2  }
0xbf: {  	s3 =	sand.u32 $0x4000, s31;
	s1 =	sadd.s32 s1, s30  }
0xc0: {  	s0 =	sor.u32 s3, s0;
	s1 =	sshll.u32 s1, $0x11  }
0xc1: {  	s0 =	sor.u32 s1, s0  }
0xc2: {  	s0 =	sadd.s32 $0x8F2B, s0  }
0xc3: {  	[sflag:s0] =	ssyncadd.remote.s32 $0x1  }
0xc4: {  	_ =	sfence.sel $0xFFFF  }
0xc5: {  	[dreg:$0x0] =	wrdreg $0xFFFFFFFF;
	(pc) =	sbr.abs _section_cstart, $3  }
0xc6: {  	[dreg:$0x1] =	wrdreg $0xFFFFFFFF  }
0xc7: {  	_ =	task.clear_ibuf [dreg:s10], $0x2FFFF;
	_ =	strace $0x9FFFFFFF  }
0xc8: {  	(tm) =	ssettm $0x7FFFFFFF  }
0xc9: {  	_ =	shalt  }
tec
execute0_lowered:
.L_overlay_start_1:
0x0: {  	(tag) =	ssettag $0x1  }
0x1: {  	s5 =	rddreg [dreg:$0x0]  }
0x2: {  	s0 =	srdreg.scid;
	s4 =	rddreg [dreg:$0x1]  }
0x3: {  	s1 =	stileid.u32;
	s6 =	rddreg [dreg:$0x4];
	s7 =	simm.s32 $0x1  }
0x4: {  	s16 =	simm.s32 $0x0;
	s0 =	sand.u32 $0x1, s0;
	s2 =	sshll.u32 s1, $0x1  }
0x5: {  	s15 =	simm.s32 $0x1;
	[smem:$0x7FF] =	sst s16;
	s3 =	sor.u32 s0, s2  }
0x6: {  	s2 =	rddreg [dreg:$0x2];
	p1 =	seq.s32 s0, $0x1;
	_ =	strace $0x80000047  }
0x7: {  	s9 =	ssub.s32 $0x2, s0;
	s22 =	sshll.u32 s0, $0xD;
	s12 =	sshll.u32 s0, $0x11  }
0x8: {  	p0 =	seq.s32 s3, $0x0;
	s3 =	sshll.u32 s3, $0x5;
	s10 =	sshrl.u32 s9, $0x1  }
0x9: {  	p0 =	por !p0, !p1;
	s8 =	sadd.s32 s3, s6;
	s13 =	ssub.s32 s9, s10  }
0xa: {  	s10 =	simm.s32 $0x80;
	p0 =	por !p0, !p0;
	s29 =	sadd.s32 $0x400, s8  }
0xb: {  	s30 =	smax.u32 s13, $0x1;
	s7 =	simm.s32 @!p0 $0x0;
	[dreg:$0x8] =	wrdreg s29  }
0xc: {  	v1 =	vimm.s32 $0xECA86420;
	[dreg:$0x9] =	wrdreg s30;
	s7 =	ssub.s32 s1, s7;
	s1 =	simm.s32 $0x0  }
0xd: {  	vm0 =	vcmask $0xB08;
	vm1 =	vcmask $0x1310;
	vm2 =	vcmask $0x1B18;
	s21 =	sshll.u32 s7, $0xB;
	s23 =	sshll.u32 s7, $0x7;
	s6 =	sshll.u32 s7, $0x12  }
0xe: {  	vm3 =	vcmask $0x300;
	vm4 =	vcmask $0x2320;
	v0 =	vmov s7;
	s3 =	sand.u32 $0xFFFFC000, s21;
	s11 =	sand.u32 $0x380, s23;
	s7 =	sor.u32 s12, s6  }
0xf: {  	vm5 =	vcmask $0x2B28;
	vm6 =	vcmask $0x3330;
	v2 =	vlaneseq.u32;
	s23 =	simm.s32 $0x3;
	s3 =	sor.u32 s22, s3;
	s26 =	sshrl.u32 s7, $0x3  }
0x10: {  	vm7 =	vcmask $0x3B38;
	vm8 =	vmmov $0xff;
	vm11 =	vcmask $0x1714;
	s24 =	sor.u32 s11, s3;
	s3 =	sshll.u32 s0, $0xA;
	s28 =	sadd.s32 s5, s26  }
0x11: {  	vm12 =	vcmask $0x1F1C;
	vm13 =	vcmask $0x2724;
	v1 =	vunpack.c.l.s4.s8 v1;
	s25 =	sshrl.u32 s24, $0x3;
	[dreg:$0x7] =	wrdreg s28;
	s31 =	sor.u32 $0x80, s3  }
0x12: {  	vm14 =	vcmask $0x2F2C;
	vm15 =	vcmask $0x3734;
	v3 =	vimm.s32 $0x0;
	s22 =	simm.s32 $0x2;
	s0 =	sadd.s32 s4, s25;
	[dreg:$0xa] =	wrdreg s31  }
0x13: {  	v4 =	vimm.f32 $0.0e+00;
	v2 =	vmul.u32 $0x2, v2;
	v1 =	vunpack.c.0.s8.s32 v1;
	s24 =	simm.s32 $0x4;
	s4 =	simm.s32 $0x5;
	[dreg:$0x6] =	wrdreg s0  }
.LBB2_1:
0x14: {  	[dreg:$0xb] =	wrdreg s1  }
0x15: {  	s0 =	rddreg [dreg:$0x3];
	s13 =	simm.s32 $0x10400  }
0x16: {  	[tilespmem:s13], [sflag:$0x5] =	stream.linear.gather [hbm4b:s0+s16], $0x80, $0x38;
	[tilespmem:$0x10580] =	vst v63  }
0x17: {  	_ =	swait.ge [sflag:s4], $0x80  }
0x18: {  	[sflag:s4] =	ssyncset.done $0x0  }
0x19: {  	s5 =	simm.s32 $0x400;
	s14 =	rddreg [dreg:$0x6];
	[sflag:s4] =	ssyncadd.s32 $0xFFFFFF80  }
0x1a: {  	[tilespmem:s16], [sflag:$0x5] =	stream.strided.gather [hbm4b:s14+s10], $0x400, s5, s10, $0x38;
	[tilespmem:$0x10580] =	vst v63  }
0x1b: {  	_ =	swait.ge [sflag:s4], $0x400  }
0x1c: {  	[sflag:s4] =	ssyncset.done $0x0  }
0x1d: {  	[sflag:s4] =	ssyncadd.s32 $0xFFFFFC00  }
0x1e: {  	v5 =	vld.idx.msk [tilespmem:v0+s13+$0x0], $0xffff;
	_ =	sdelay $0x4  }
0x1f: {  	(v2sf) =	vpush v5, $0xD;
	_ =	sdelay $0x1  }
0x20: {  	(v2sf) =	vpush v5, $0xC;
	_ =	sdelay $0x1  }
0x21: {  	(v2sf) =	vpush v5, $0xE;
	_ =	sdelay $0x1  }
0x22: {  	(v2sf) =	vpush v5, $0xF;
	_ =	sdelay $0x1  }
0x23: {  	(v2sf) =	vpush v5, $0x9;
	_ =	sdelay $0x1  }
0x24: {  	(v2sf) =	vpush v5, $0x8;
	_ =	sdelay $0x1  }
0x25: {  	(v2sf) =	vpush v5, $0xA  }
0x26: {  	(v2sf) =	vpush v5, $0xB;
	_ =	sdelay $0x1  }
0x27: {  	(v2sf) =	vpush v5, $0x0;
	s16 =	spop (v2sf)  }
0x28: {  	s9 =	smulhi.u32 $0x66666667, s16;
	s0 =	sshra.s32 s16, $0x1F  }
0x29: {  	s8 =	spop (v2sf);
	s1 =	smul.u32 $0x66666667, s0  }
0x2a: {  	s11 =	smulhi.u32 $0x66666667, s8;
	s8 =	sshra.s32 s8, $0x1F  }
0x2b: {  	s17 =	spop (v2sf);
	s25 =	smul.u32 $0x66666667, s8  }
0x2c: {  	s19 =	smulhi.u32 $0x66666667, s17;
	s8 =	sshra.s32 s17, $0x1F  }
0x2d: {  	(v2sf) =	vpush v5, $0x1;
	s18 =	spop (v2sf);
	s29 =	smul.u32 $0x66666667, s8  }
0x2e: {  	s30 =	smulhi.u32 $0x66666667, s18;
	s8 =	sshra.s32 s18, $0x1F  }
0x2f: {  	(v2sf) =	vpush v5, $0x2;
	s31 =	spop (v2sf);
	s28 =	smul.u32 $0x66666667, s8  }
0x30: {  	s10 =	smulhi.u32 $0x66666667, s31;
	s20 =	sshra.s32 s31, $0x1F  }
0x31: {  	(v2sf) =	vpush v5, $0x3;
	s21 =	spop (v2sf);
	s31 =	smul.u32 $0x66666667, s20  }
0x32: {  	(v2sf) =	vpush v5, $0x4;
	s26 =	smulhi.u32 $0x66666667, s21;
	s8 =	sshra.s32 s21, $0x1F  }
0x33: {  	s18 =	spop (v2sf);
	s12 =	smul.u32 $0x66666667, s8  }
0x34: {  	(v2sf) =	vpush v5, $0x5;
	s0 =	spop (v2sf);
	s13 =	smulhi.u32 $0x66666667, s18;
	s18 =	sshra.s32 s18, $0x1F  }
0x35: {  	(v2sf) =	vpush v5, $0x6;
	s28 =	sadd.s32 s28, s30;
	[dreg:$0xf] =	wrdreg s26;
	s18 =	smul.u32 $0x66666667, s18  }
0x36: {  	(v2sf) =	vpush v5, $0x7;
	s14 =	spop (v2sf);
	s16 =	smulhi.u32 $0x66666667, s0;
	s8 =	sshra.s32 s0, $0x1F  }
0x37: {  	s0 =	smov.u32 s3;
	s3 =	smov.u32 s7;
	s7 =	smov.u32 s6  }
0x38: {  	s6 =	smov.u32 s2;
	s2 =	sadd.s32 s1, s9;
	s9 =	sadd.s32 s25, s11  }
0x39: {  	s11 =	sadd.s32 s29, s19;
	s20 =	smul.u32 $0x66666667, s8;
	[dreg:$0xc] =	wrdreg s2  }
0x3a: {  	s17 =	smulhi.u32 $0x66666667, s14;
	s4 =	sshra.s32 s14, $0x1F;
	s25 =	rddreg [dreg:$0xf]  }
0x3b: {  	[dreg:$0xd] =	wrdreg s11;
	s4 =	smul.u32 $0x66666667, s4;
	s25 =	sadd.s32 s12, s25  }
0x3c: {  	s12 =	sadd.s32 s18, s13;
	s18 =	sadd.s32 s20, s16;
	s5 =	spop (v2sf)  }
0x3d: {  	[dreg:$0xe] =	wrdreg s18;
	s8 =	smulhi.u32 $0x66666667, s5;
	s5 =	sshra.s32 s5, $0x1F  }
0x3e: {  	s31 =	sadd.s32 s31, s10;
	s26 =	spop (v2sf);
	s5 =	smul.u32 $0x66666667, s5  }
0x3f: {  	s18 =	sshrl.u32 s9, $0x1F;
	s29 =	smulhi.u32 $0x66666667, s26;
	s19 =	sshra.s32 s26, $0x1F  }
0x40: {  	v7 =	vmov s18;
	s18 =	sshrl.u32 s25, $0x1F;
	s21 =	spop (v2sf);
	s30 =	smul.u32 $0x66666667, s19  }
0x41: {  	s14 =	spop (v2sf);
	s10 =	smulhi.u32 $0x66666667, s21;
	s21 =	sshra.s32 s21, $0x1F  }
0x42: {  	s19 =	sshrl.u32 s2, $0x1F;
	s2 =	smov.u32 s6;
	s6 =	smov.u32 s7  }
0x43: {  	s7 =	smov.u32 s3;
	s1 =	spop (v2sf);
	s21 =	smul.u32 $0x66666667, s21  }
0x44: {  	s13 =	smulhi.u32 $0x66666667, s14;
	s14 =	sshra.s32 s14, $0x1F;
	s26 =	spop (v2sf)  }
0x45: {  	s3 =	smov.u32 s0;
	s14 =	smul.u32 $0x66666667, s14;
	s20 =	spop (v2sf)  }
0x46: {  	s0 =	sadd.s32 s4, s17;
	s4 =	smulhi.u32 $0x66666667, s20;
	s16 =	sshra.s32 s20, $0x1F  }
0x47: {  	v9 =	vmov s18;
	s18 =	sshrl.u32 s12, $0x1F;
	s5 =	sadd.s32 s5, s8;
	s8 =	smul.u32 $0x66666667, s16  }
0x48: {  	v7 =	vsel vm0, s19, v7;
	s19 =	sshra.s32 s5, $0x7;
	s10 =	sadd.s32 s21, s10;
	s21 =	sshrl.u32 s31, $0x1F  }
0x49: {  	s13 =	sadd.s32 s14, s13;
	s14 =	smulhi.u32 $0x66666667, s1;
	s4 =	sadd.s32 s8, s4  }
0x4a: {  	s1 =	sshra.s32 s1, $0x1F;
	s16 =	sshrl.u32 s11, $0x1F;
	s17 =	sshra.s32 s4, $0x1F  }
0x4b: {  	vm9 =	vcmask $0x704;
	s1 =	smul.u32 $0x66666667, s1;
	s11 =	sshrl.u32 s0, $0x1F;
	s8 =	sshra.s32 s0, $0x7;
	v6 =	vmov s17  }
0x4c: {  	s20 =	sadd.s32 s30, s29;
	s29 =	sshrl.u32 s28, $0x1F;
	v9 =	vsel vm0, s21, v9;
	v8 =	vmov s11;
	s0 =	sshra.s32 s0, $0x1F;
	v6 =	vsel vm3, s8, v6  }
0x4d: {  	s21 =	rddreg [dreg:$0xc];
	v7 =	vsel vm1, s16, v7;
	s11 =	sshrl.u32 s20, $0x1F;
	s1 =	sadd.s32 s1, s14;
	v8 =	vnsel vm3, $0x0, v8;
	v6 =	vsel vm9, s0, v6  }
0x4e: {  	v7 =	vsel vm2, s29, v7;
	s29 =	sshrl.u32 s13, $0x1F;
	s17 =	sshrl.u32 s5, $0x1F;
	s5 =	sshra.s32 s5, $0x1F;
	vm9 =	vcmask $0xF0C;
	v6 =	vsel vm0, s19, v6  }
0x4f: {  	s8 =	sshra.s32 s26, $0x1F;
	v8 =	vsel vm0, s17, v8;
	s17 =	sshra.s32 s20, $0x7;
	s0 =	smulhi.u32 $0x66666667, s26;
	v6 =	vsel vm9, s5, v6  }
0x50: {  	s16 =	smul.u32 $0x66666667, s8;
	v8 =	vsel vm1, s11, v8;
	s26 =	sshra.s32 s20, $0x1F;
	s11 =	rddreg [dreg:$0xe];
	v6 =	vsel vm1, s17, v6  }
0x51: {  	v9 =	vsel vm1, s18, v9;
	s8 =	sshra.s32 s10, $0x7;
	s19 =	sshrl.u32 s10, $0x1F;
	s14 =	sshrl.u32 s11, $0x1F;
	v6 =	vsel vm11, s26, v6  }
0x52: {  	s20 =	sshra.s32 s13, $0x7;
	s10 =	sshra.s32 s10, $0x1F;
	v8 =	vsel vm2, s19, v8;
	v9 =	vsel vm2, s14, v9;
	s19 =	sshra.s32 s9, $0x7;
	v6 =	vsel vm2, s8, v6  }
0x53: {  	s0 =	sadd.s32 s16, s0;
	s5 =	sshra.s32 s21, $0x7;
	v8 =	vsel vm4, s29, v8;
	s17 =	sshrl.u32 s1, $0x1F;
	v10 =	vmov s19;
	v6 =	vsel vm12, s10, v6  }
0x54: {  	s9 =	rddreg [dreg:$0xd];
	s29 =	sshra.s32 s13, $0x1F;
	v7 =	vcombine.low v9, v7;
	v8 =	vsel vm5, s17, v8;
	s26 =	sshra.s32 s25, $0x7;
	v6 =	vsel vm4, s20, v6  }
0x55: {  	s16 =	sshra.s32 s1, $0x7;
	s18 =	sshrl.u32 s0, $0x1F;
	s13 =	sshra.s32 s31, $0x7;
	v10 =	vsel vm0, s5, v10;
	v11 =	vmov s26;
	v6 =	vsel vm13, s29, v6  }
0x56: {  	s1 =	sshra.s32 s1, $0x1F;
	s5 =	sshra.s32 s9, $0x7;
	v8 =	vsel vm6, s18, v8;
	s18 =	sshra.s32 s12, $0x7;
	v11 =	vsel vm0, s13, v11;
	v6 =	vsel vm5, s16, v6  }
0x57: {  	s19 =	sshra.s32 s11, $0x7;
	s17 =	sshra.s32 s28, $0x7;
	v10 =	vsel vm1, s5, v10;
	v11 =	vsel vm1, s18, v11;
	s20 =	sshra.s32 s0, $0x7;
	v6 =	vsel vm14, s1, v6  }
0x58: {  	s21 =	sshrl.u32 s4, $0x1F;
	v10 =	vsel vm2, s17, v10;
	s0 =	sshra.s32 s0, $0x1F;
	v11 =	vsel vm2, s19, v11;
	v6 =	vsel vm6, s20, v6  }
0x59: {  	s25 =	sshra.s32 s4, $0x7;
	v8 =	vsel vm7, s21, v8;
	v62 =	vcombine.low v11, v10;
	v6 =	vsel vm15, s0, v6  }
0x5a: {  	v7 =	vperm.xlane v7, v1;
	v8 =	vperm.xlane v8, v2;
	v6 =	vsel vm7, s25, v6  }
0x5b: {  	v9 =	vperm.xlane v62, v1;
	v6 =	vperm.xlane v6, v2;
	_ =	sdelay $0x1  }
0x5c: {  	v7 =	vsel vm8, v8, v7;
	v6 =	vsel vm8, v6, v9  }
0x5d: {  	v6 =	vadd.s32 v7, v6  }
0x5e: {  	v7 =	vmul.u32 $0xFFFFFEC0, v6  }
0x5f: {  	v63 =	vsub.s32 $0x0, v5  }
0x60: {  	s30 =	simm.s32 $0x0;
	s14 =	rddreg [dreg:$0x0];
	vm9 =	vlt.s32 v5, $0x1;
	vm10 =	vne.s32 v7, v63  }
0x61: {  	[tilespmem:$0x10480] =	vst v4;
	s31 =	simm.s32 $0x8400;
	s9 =	simm.s32 $0x4400;
	s28 =	rddreg [dreg:$0xa];
	vm9 =	vmand vm9, vm10  }
0x62: {  	[tilespmem:$0x10500] =	vst v4;
	s26 =	simm.s32 $0x400;
	s10 =	simm.s32 $0x80;
	s16 =	simm.s32 $0x0;
	v5 =	vsel vm9, $0xFFFFFFFF, v3  }
0x63: {  	[tilespmem:s26], [sflag:$0x1] =	stream.indirect.gather [hbm4b:s2+s10], $0x80, s16, s10, $0xb8;
	v5 =	vadd.s32 v5, v6;
	[tilespmem:$0x10580] =	vst v63  }
0x64: {  	s12 =	simm.s32 $0xC400;
	s8 =	smov.u32 s3;
	s29 =	rddreg [dreg:$0x7];
	vm9 =	vlt.s32 v5, $0x800  }
0x65: {  	[tilespmem:s31], [sflag:$0x2] =	stream.linear.gather [hbm4b:s29+s16], $0x4000, $0x38;
	v5 =	vnsel vm9, $0x800, v5;
	[tilespmem:$0x10580] =	vst v63  }
.LBB2_2:
0x66: {  	s0 =	sshll.u32 s30, $0x8  }
0x67: {  	s0 =	sor.u32 $0x80, s0  }
0x68: {  	s1 =	sor.u32 s3, s0  }
0x69: {  	[tilespmem:s9], [sflag:$0x3] =	stream.indirect.gather [hbm4b:s2+s10], $0x80, s0, s10, $0xb8;
	[tilespmem:$0x10580] =	vst v63  }
0x6a: {  	s20 =	sshll.u32 s1, $0x7  }
0x6b: {  	s0 =	sadd.s32 s6, s20  }
0x6c: {  	s0 =	sshrl.u32 s0, $0x3  }
0x6d: {  	s21 =	simm.s32 $0x0;
	s0 =	sadd.s32 s14, s0  }
0x6e: {  	[tilespmem:s12], [sflag:$0x4] =	stream.linear.gather [hbm4b:s0+s21], $0x4000, $0x38;
	[tilespmem:$0x10580] =	vst v63  }
0x6f: {  	_ =	swait.ge [sflag:s15], $0x4000  }
0x70: {  	[sflag:s15] =	ssyncset.done $0x0  }
0x71: {  	[sflag:s15] =	ssyncadd.s32 $0xFFFFC000  }
0x72: {  	_ =	swait.ge [sflag:s22], $0x4000  }
0x73: {  	[sflag:s22] =	ssyncset.done $0x0  }
0x74: {  	s25 =	simm.s32 $0x0;
	[sflag:s22] =	ssyncadd.s32 $0xFFFFC000  }
0x75: {  	v6 =	vld [tilespmem:s25+$0x8400]  }
0x76: {  	v7 =	vld [tilespmem:s25+$0x400]  }
0x77: {  	v8 =	vld [tilespmem:s25+$0x8410]  }
0x78: {  	v9 =	vld [tilespmem:s25+$0x410]  }
0x79: {  	v10 =	vld [tilespmem:s25+$0x8430]  }
0x7a: {  	v11 =	vld [tilespmem:s25+$0x430]  }
0x7b: {  	v12 =	vld [tilespmem:s25+$0x8420];
	v6 =	vsub.bf16 v6, v7  }
0x7c: {  	v7 =	vld [tilespmem:s25+$0x420]  }
0x7d: {  	v14 =	vld [tilespmem:s25+$0x470];
	v8 =	vsub.bf16 v8, v9;
	v13 =	vshll.u32 v6, $0x10;
	v6 =	vand.u32 $0xFFFF0000, v6  }
0x7e: {  	v16 =	vld [tilespmem:s25+$0x8460];
	v13 =	vmul.f32 v13, v13;
	v6 =	vmul.f32 v6, v6  }
0x7f: {  	s26 =	simm.s32 $0x80;
	v18 =	vld [tilespmem:s25+$0x8440];
	v15 =	vshll.u32 v8, $0x10  }
0x80: {  	v19 =	vld [tilespmem:s26+$0x430];
	v6 =	vadd.f32 v6, v13;
	v13 =	vmul.f32 v15, v15  }
0x81: {  	v21 =	vld [tilespmem:s26+$0x420];
	v8 =	vand.u32 $0xFFFF0000, v8;
	v7 =	vsub.bf16 v12, v7  }
0x82: {  	v9 =	vld [tilespmem:s25+$0x8470];
	v8 =	vmul.f32 v8, v8;
	v6 =	vadd.f32 v13, v6  }
0x83: {  	v10 =	vsub.bf16 v10, v11;
	v11 =	vld [tilespmem:s26+$0x8430];
	v17 =	vshll.u32 v7, $0x10  }
0x84: {  	v6 =	vadd.f32 v6, v8;
	v8 =	vmul.f32 v17, v17;
	v17 =	vld [tilespmem:s25+$0x440]  }
0x85: {  	v12 =	vld [tilespmem:s25+$0x8450];
	v7 =	vand.u32 $0xFFFF0000, v7  }
0x86: {  	v13 =	vld [tilespmem:s25+$0x450];
	v7 =	vmul.f32 v7, v7;
	v6 =	vadd.f32 v8, v6  }
0x87: {  	v20 =	vshll.u32 v10, $0x10;
	v15 =	vld [tilespmem:s25+$0x460]  }
0x88: {  	v8 =	vld [tilespmem:s26+$0x8420];
	v6 =	vadd.f32 v6, v7;
	v7 =	vmul.f32 v20, v20  }
0x89: {  	v10 =	vand.u32 $0xFFFF0000, v10;
	v20 =	vld [tilespmem:s26+$0x8400];
	v17 =	vsub.bf16 v18, v17  }
0x8a: {  	v18 =	vld [tilespmem:s26+$0x400];
	v6 =	vadd.f32 v7, v6;
	v7 =	vmul.f32 v10, v10  }
0x8b: {  	v23 =	vld [tilespmem:s26+$0x410];
	v14 =	vsub.bf16 v9, v14;
	v12 =	vsub.bf16 v12, v13;
	v22 =	vshll.u32 v17, $0x10  }
0x8c: {  	v19 =	vsub.bf16 v11, v19;
	v10 =	vld [tilespmem:s26+$0x8410];
	v6 =	vadd.f32 v6, v7;
	v7 =	vmul.f32 v22, v22  }
0x8d: {  	v13 =	vsub.bf16 v16, v15;
	v11 =	vshll.u32 v12, $0x10;
	v17 =	vand.u32 $0xFFFF0000, v17  }
0x8e: {  	v16 =	vsub.bf16 v8, v21;
	v9 =	vmul.f32 v17, v17;
	v7 =	vadd.f32 v7, v6  }
0x8f: {  	v8 =	vmul.f32 v11, v11;
	v15 =	vsub.bf16 v20, v18  }
0x90: {  	v24 =	vld [tilespmem:$0x10500];
	v21 =	vshll.u32 v16, $0x10;
	v18 =	vshll.u32 v13, $0x10;
	v7 =	vadd.f32 v7, v9  }
0x91: {  	v22 =	vld [tilespmem:s26+$0x8440];
	v17 =	vsub.bf16 v10, v23;
	v10 =	vand.u32 $0xFFFF0000, v12;
	v11 =	vshll.u32 v15, $0x10  }
0x92: {  	s31 =	simm.s32 $0x100;
	v6 =	vld [tilespmem:$0x10480];
	v12 =	vand.u32 $0xFFFF0000, v15;
	v10 =	vmul.f32 v10, v10;
	v7 =	vadd.f32 v8, v7  }
0x93: {  	v23 =	vand.u32 $0xFFFF0000, v16;
	v16 =	vld [tilespmem:s31+$0x430];
	v15 =	vmul.f32 v11, v11;
	v12 =	vmul.f32 v12, v12  }
0x94: {  	v18 =	vmul.f32 v18, v18;
	v9 =	vld [tilespmem:s26+$0x8470];
	v20 =	vshll.u32 v17, $0x10;
	v7 =	vadd.f32 v7, v10  }
0x95: {  	v13 =	vand.u32 $0xFFFF0000, v13;
	v11 =	vld [tilespmem:s26+$0x470];
	v20 =	vmul.f32 v20, v20;
	v15 =	vadd.f32 v12, v15  }
0x96: {  	v17 =	vand.u32 $0xFFFF0000, v17;
	v8 =	vld [tilespmem:s26+$0x8460];
	v7 =	vadd.f32 v18, v7;
	v18 =	vmul.f32 v13, v13  }
0x97: {  	v17 =	vmul.f32 v17, v17;
	v12 =	vld [tilespmem:s26+$0x8450];
	v15 =	vadd.f32 v20, v15;
	v20 =	vshll.u32 v14, $0x10  }
0x98: {  	v10 =	vld [tilespmem:s26+$0x460];
	v7 =	vadd.f32 v7, v18;
	v18 =	vmul.f32 v20, v20  }
0x99: {  	v14 =	vand.u32 $0xFFFF0000, v14;
	v17 =	vadd.f32 v15, v17;
	v20 =	vmul.f32 v21, v21;
	v21 =	vld [tilespmem:s26+$0x440]  }
0x9a: {  	v13 =	vld [tilespmem:s26+$0x450];
	v14 =	vmul.f32 v14, v14;
	v7 =	vadd.f32 v18, v7  }
0x9b: {  	v23 =	vmul.f32 v23, v23;
	v15 =	vld [tilespmem:s31+$0x8430];
	v20 =	vadd.f32 v20, v17;
	v18 =	vmov s8  }
0x9c: {  	v25 =	vshll.u32 v19, $0x10;
	v17 =	vld [tilespmem:s31+$0x8420];
	vm9 =	vlt.s32 v18, v5;
	v7 =	vadd.f32 v7, v14  }
0x9d: {  	v25 =	vmul.f32 v25, v25;
	v18 =	vld [tilespmem:s31+$0x420];
	v23 =	vadd.f32 v20, v23;
	v26 =	vsel vm9, $0x3F800000, v4  }
0x9e: {  	v27 =	vand.u32 $0xFFFF0000, v19;
	v20 =	vld [tilespmem:s31+$0x8400];
	v19 =	vsub.bf16 v22, v21;
	v14 =	vmul.f32 v7, v26  }
0x9f: {  	s29 =	smov.u32 s8;
	s0 =	simm.s32 $0x600;
	v21 =	vld [tilespmem:s31+$0x400];
	v22 =	vadd.f32 v25, v23;
	v23 =	vmul.f32 v27, v27;
	v7 =	vadd.f32 v26, v24  }
.LBB2_3:
0xa0: {  	p0 =	sne.s32 s0, $0xFE00;
	v24 =	vld [tilespmem:s31+$0x8410];
	v25 =	vshll.u32 v19, $0x10;
	v6 =	vadd.f32 v14, v6  }
0xa1: {  	v14 =	vld [tilespmem:s31+$0x410];
	v22 =	vadd.f32 v22, v23;
	v23 =	vmul.f32 v25, v25  }
0xa2: {  	v19 =	vand.u32 $0xFFFF0000, v19;
	v12 =	vsub.bf16 v12, v13;
	v25 =	vsub.bf16 v9, v11  }
0xa3: {  	v13 =	vsub.bf16 v8, v10;
	v11 =	vmul.f32 v19, v19;
	v9 =	vadd.f32 v23, v22  }
0xa4: {  	v19 =	vsub.bf16 v15, v16;
	v10 =	vshll.u32 v12, $0x10;
	v8 =	vsub.bf16 v20, v21  }
0xa5: {  	v16 =	vsub.bf16 v17, v18;
	v10 =	vmul.f32 v10, v10;
	v11 =	vadd.f32 v9, v11  }
0xa6: {  	v12 =	vand.u32 $0xFFFF0000, v12;
	v15 =	vshll.u32 v8, $0x10;
	v14 =	vsub.bf16 v24, v14  }
0xa7: {  	v12 =	vmul.f32 v12, v12;
	v8 =	vand.u32 $0xFFFF0000, v8;
	v9 =	vld [tilespmem:s31+$0x8470];
	v10 =	vadd.f32 v10, v11  }
0xa8: {  	v18 =	vshll.u32 v13, $0x10;
	v15 =	vmul.f32 v15, v15;
	v17 =	vmul.f32 v8, v8;
	v11 =	vld [tilespmem:s31+$0x470]  }
0xa9: {  	v18 =	vmul.f32 v18, v18;
	v20 =	vshll.u32 v14, $0x10;
	v8 =	vld [tilespmem:s31+$0x8460];
	v21 =	vadd.f32 v10, v12  }
0xaa: {  	v13 =	vand.u32 $0xFFFF0000, v13;
	v15 =	vadd.f32 v17, v15;
	v17 =	vmul.f32 v20, v20;
	v10 =	vld [tilespmem:s31+$0x460]  }
0xab: {  	v14 =	vand.u32 $0xFFFF0000, v14;
	v20 =	vmul.f32 v13, v13;
	v12 =	vld [tilespmem:s31+$0x8450];
	v18 =	vadd.f32 v18, v21  }
0xac: {  	v14 =	vmul.f32 v14, v14;
	v15 =	vadd.f32 v17, v15;
	v17 =	vshll.u32 v25, $0x10;
	v13 =	vld [tilespmem:s31+$0x450]  }
0xad: {  	v21 =	vshll.u32 v16, $0x10;
	v17 =	vmul.f32 v17, v17;
	v22 =	vld [tilespmem:s31+$0x8440];
	v18 =	vadd.f32 v18, v20  }
0xae: {  	v23 =	vand.u32 $0xFFFF0000, v25;
	v14 =	vadd.f32 v15, v14;
	v20 =	vmul.f32 v21, v21;
	v21 =	vld [tilespmem:s31+$0x440];
	s31 =	sshra.s32 s0, $0x2  }
0xaf: {  	s29 =	sadd.s32 $0x1, s29;
	v23 =	vmul.f32 v23, v23;
	v24 =	vand.u32 $0xFFFF0000, v16;
	v15 =	vld [tilespmem:s31+$0x8430];
	v18 =	vadd.f32 v17, v18  }
.Ltmp0:
0xb0: {  	v14 =	vadd.f32 v20, v14;
	v20 =	vmul.f32 v24, v24;
	v24 =	vmov s29;
	v16 =	vld [tilespmem:s31+$0x430];
	(pc) =	sbr.rel @p0 .LBB2_3-.Ltmp0, $4  }
0xb1: {  	v25 =	vshll.u32 v19, $0x10;
	vm9 =	vlt.s32 v24, v5;
	v17 =	vld [tilespmem:s31+$0x8420];
	v23 =	vadd.f32 v18, v23  }
0xb2: {  	v25 =	vmul.f32 v25, v25;
	v24 =	vadd.f32 v14, v20;
	v26 =	vsel vm9, $0x3F800000, v4;
	v18 =	vld [tilespmem:s31+$0x420]  }
0xb3: {  	v27 =	vand.u32 $0xFFFF0000, v19;
	v20 =	vld [tilespmem:s31+$0x8400];
	v19 =	vsub.bf16 v22, v21;
	v14 =	vmul.f32 v23, v26  }
0xb4: {  	s0 =	sadd.s32 $0x200, s0;
	v7 =	vadd.f32 v26, v7;
	v22 =	vadd.f32 v25, v24;
	v23 =	vmul.f32 v27, v27;
	v21 =	vld [tilespmem:s31+$0x400]  }
0xb5: {  	v24 =	vld [tilespmem:s31+$0x8410]  }
0xb6: {  	v25 =	vld [tilespmem:s31+$0x410];
	_ =	sdelay $0x2  }
0xb7: {  	v20 =	vsub.bf16 v20, v21;
	_ =	sdelay $0x1  }
0xb8: {  	v24 =	vsub.bf16 v24, v25;
	v21 =	vshll.u32 v20, $0x10;
	v20 =	vand.u32 $0xFFFF0000, v20  }
0xb9: {  	v21 =	vmul.f32 v21, v21;
	v20 =	vmul.f32 v20, v20  }
0xba: {  	v25 =	vshll.u32 v24, $0x10  }
0xbb: {  	v60 =	vshll.u32 v19, $0x10;
	v20 =	vadd.f32 v20, v21;
	v21 =	vmul.f32 v25, v25  }
0xbc: {  	v19 =	vand.u32 $0xFFFF0000, v19;
	v17 =	vsub.bf16 v17, v18;
	v18 =	vand.u32 $0xFFFF0000, v24  }
0xbd: {  	v12 =	vsub.bf16 v12, v13;
	v18 =	vmul.f32 v18, v18;
	v20 =	vadd.f32 v21, v20  }
0xbe: {  	v61 =	vld [tilespmem:s31+$0x8440];
	v13 =	vsub.bf16 v15, v16;
	v21 =	vadd.f32 v22, v23;
	v23 =	vshll.u32 v17, $0x10  }
0xbf: {  	v9 =	vsub.bf16 v9, v11;
	v18 =	vadd.f32 v20, v18;
	v20 =	vmul.f32 v23, v23;
	v23 =	vld [tilespmem:s31+$0x440]  }
0xc0: {  	v8 =	vsub.bf16 v8, v10;
	v15 =	vand.u32 $0xFFFF0000, v17;
	v22 =	vmul.f32 v60, v60  }
0xc1: {  	v10 =	vand.u32 $0xFFFF0000, v12;
	v15 =	vmul.f32 v15, v15;
	v11 =	vadd.f32 v20, v18  }
0xc2: {  	v17 =	vmul.f32 v19, v19;
	v19 =	vshll.u32 v13, $0x10;
	v16 =	vadd.f32 v22, v21;
	v21 =	vld [tilespmem:s31+$0x450]  }
0xc3: {  	v13 =	vand.u32 $0xFFFF0000, v13;
	v18 =	vld [tilespmem:s31+$0x8450];
	v11 =	vadd.f32 v11, v15;
	v15 =	vmul.f32 v19, v19  }
0xc4: {  	v20 =	vshll.u32 v12, $0x10;
	v16 =	vadd.f32 v16, v17;
	v17 =	vsub.bf16 v61, v23  }
0xc5: {  	v13 =	vmul.f32 v13, v13;
	v19 =	vmul.f32 v20, v20;
	v11 =	vadd.f32 v15, v11  }
0xc6: {  	v10 =	vmul.f32 v10, v10;
	v12 =	vld [tilespmem:s31+$0x8460];
	v15 =	vshll.u32 v17, $0x10  }
0xc7: {  	v16 =	vadd.f32 v19, v16;
	v19 =	vld [tilespmem:s31+$0x460];
	v11 =	vadd.f32 v11, v13;
	v13 =	vmul.f32 v15, v15  }
0xc8: {  	v15 =	vand.u32 $0xFFFF0000, v17;
	v17 =	vsub.bf16 v18, v21;
	v18 =	vshll.u32 v8, $0x10  }
0xc9: {  	v10 =	vadd.f32 v16, v10;
	v11 =	vadd.f32 v13, v11;
	v13 =	vmul.f32 v15, v15  }
0xca: {  	v20 =	vld [tilespmem:s31+$0x470];
	v8 =	vand.u32 $0xFFFF0000, v8;
	v16 =	vmul.f32 v18, v18;
	v18 =	vshll.u32 v17, $0x10  }
0xcb: {  	v8 =	vmul.f32 v8, v8;
	v15 =	vld [tilespmem:s31+$0x8470];
	v11 =	vadd.f32 v11, v13;
	v13 =	vmul.f32 v18, v18  }
0xcc: {  	v10 =	vadd.f32 v16, v10;
	v12 =	vsub.bf16 v12, v19;
	v16 =	vand.u32 $0xFFFF0000, v17  }
0xcd: {  	v11 =	vadd.f32 v13, v11;
	v13 =	vmul.f32 v16, v16  }
0xce: {  	v17 =	vshll.u32 v12, $0x10;
	v8 =	vadd.f32 v10, v8  }
0xcf: {  	v16 =	vshll.u32 v9, $0x10;
	v10 =	vadd.f32 v11, v13;
	v11 =	vmul.f32 v17, v17  }
0xd0: {  	v12 =	vand.u32 $0xFFFF0000, v12;
	v15 =	vsub.bf16 v15, v20;
	v13 =	vmul.f32 v16, v16  }
0xd1: {  	v9 =	vand.u32 $0xFFFF0000, v9;
	v10 =	vadd.f32 v11, v10;
	v11 =	vmul.f32 v12, v12  }
0xd2: {  	v9 =	vmul.f32 v9, v9;
	v8 =	vadd.f32 v13, v8;
	v12 =	vshll.u32 v15, $0x10  }
0xd3: {  	s0 =	sadd.s32 $0x1, s29;
	v10 =	vadd.f32 v10, v11;
	v11 =	vmul.f32 v12, v12  }
0xd4: {  	v12 =	vmov s0;
	v8 =	vadd.f32 v8, v9;
	v9 =	vand.u32 $0xFFFF0000, v15  }
0xd5: {  	s0 =	sadd.s32 $0x1, s0;
	vm9 =	vlt.s32 v12, v5;
	v9 =	vmul.f32 v9, v9;
	v10 =	vadd.f32 v11, v10  }
0xd6: {  	v6 =	vadd.f32 v14, v6;
	v12 =	vmov s0;
	v11 =	vsel vm9, $0x3F800000, v4  }
0xd7: {  	vm9 =	vlt.s32 v12, v5;
	v8 =	vmul.f32 v8, v11;
	v9 =	vadd.f32 v10, v9  }
0xd8: {  	p0 =	seq.s32 s30, $0x3;
	v7 =	vadd.f32 v11, v7;
	v10 =	vsel vm9, $0x3F800000, v4  }
0xd9: {  	s0 =	sshll.u32 @!p0 s30, $0x1;
	v6 =	vadd.f32 v8, v6;
	v8 =	vmul.f32 v9, v10  }
0xda: {  	s0 =	sadd.s32 @!p0 $0x2, s0;
	v7 =	vadd.f32 v10, v7  }
0xdb: {  	s1 =	sshll.u32 @!p0 s0, $0x7;
	s0 =	sshll.u32 @!p0 s0, $0xE;
	v6 =	vadd.f32 v8, v6  }
0xdc: {  	s4 =	simm.s32 @!p0 $0x80;
	s0 =	sadd.s32 @!p0 s0, s7;
	[tilespmem:$0x10500] =	vst v7  }
0xdd: {  	s5 =	simm.s32 @!p0 $0x400;
	s1 =	sand.u32 @!p0 $0x3FFFFF00, s1;
	s0 =	sshrl.u32 @!p0 s0, $0x3;
	[tilespmem:$0x10480] =	vst v6  }
0xde: {  	[tilespmem:s5], [sflag:$0x1] =	stream.indirect.gather @!p0 [hbm4b:s2+s4], $0x80, s1, s4, $0xb8;
	[tilespmem:$0x10580] =	vst v63  }
0xdf: {  	s0 =	sadd.s32 @!p0 s14, s0;
	s1 =	simm.s32 @!p0 $0x0;
	s4 =	simm.s32 @!p0 $0x8400  }
0xe0: {  	[tilespmem:s4], [sflag:$0x2] =	stream.linear.gather @!p0 [hbm4b:s0+s1], $0x4000, $0x38;
	[tilespmem:$0x10580] =	vst v63  }
0xe1: {  	_ =	swait.ge [sflag:s23], $0x4000  }
0xe2: {  	[sflag:s23] =	ssyncset.done $0x0  }
0xe3: {  	[sflag:s23] =	ssyncadd.s32 $0xFFFFC000  }
0xe4: {  	_ =	swait.ge [sflag:s24], $0x4000  }
0xe5: {  	[sflag:s24] =	ssyncset.done $0x0  }
0xe6: {  	s25 =	simm.s32 $0x0;
	[sflag:s24] =	ssyncadd.s32 $0xFFFFC000  }
0xe7: {  	v6 =	vld [tilespmem:s25+$0xC400]  }
0xe8: {  	v7 =	vld [tilespmem:s25+$0x4400]  }
0xe9: {  	v8 =	vld [tilespmem:s25+$0xC410]  }
0xea: {  	v9 =	vld [tilespmem:s25+$0x4410]  }
0xeb: {  	v10 =	vld [tilespmem:s25+$0xC430]  }
0xec: {  	v11 =	vld [tilespmem:s25+$0x4430]  }
0xed: {  	v12 =	vld [tilespmem:s25+$0xC420];
	v6 =	vsub.bf16 v6, v7  }
0xee: {  	v7 =	vld [tilespmem:s25+$0x4420]  }
0xef: {  	v14 =	vld [tilespmem:s25+$0x4470];
	v8 =	vsub.bf16 v8, v9;
	v13 =	vshll.u32 v6, $0x10;
	v6 =	vand.u32 $0xFFFF0000, v6  }
0xf0: {  	v16 =	vld [tilespmem:s25+$0xC460];
	v13 =	vmul.f32 v13, v13;
	v6 =	vmul.f32 v6, v6  }
0xf1: {  	s26 =	simm.s32 $0x80;
	v18 =	vld [tilespmem:s25+$0xC440];
	v15 =	vshll.u32 v8, $0x10  }
0xf2: {  	v19 =	vld [tilespmem:s26+$0x4430];
	v6 =	vadd.f32 v6, v13;
	v13 =	vmul.f32 v15, v15  }
0xf3: {  	v21 =	vld [tilespmem:s26+$0x4420];
	v8 =	vand.u32 $0xFFFF0000, v8;
	v7 =	vsub.bf16 v12, v7  }
0xf4: {  	v9 =	vld [tilespmem:s25+$0xC470];
	v8 =	vmul.f32 v8, v8;
	v6 =	vadd.f32 v13, v6  }
0xf5: {  	v10 =	vsub.bf16 v10, v11;
	v11 =	vld [tilespmem:s26+$0xC430];
	v17 =	vshll.u32 v7, $0x10  }
0xf6: {  	v6 =	vadd.f32 v6, v8;
	v8 =	vmul.f32 v17, v17;
	v17 =	vld [tilespmem:s25+$0x4440]  }
0xf7: {  	v12 =	vld [tilespmem:s25+$0xC450];
	v7 =	vand.u32 $0xFFFF0000, v7  }
0xf8: {  	v13 =	vld [tilespmem:s25+$0x4450];
	v7 =	vmul.f32 v7, v7;
	v6 =	vadd.f32 v8, v6  }
0xf9: {  	v20 =	vshll.u32 v10, $0x10;
	v15 =	vld [tilespmem:s25+$0x4460]  }
0xfa: {  	v8 =	vld [tilespmem:s26+$0xC420];
	v6 =	vadd.f32 v6, v7;
	v7 =	vmul.f32 v20, v20  }
0xfb: {  	v10 =	vand.u32 $0xFFFF0000, v10;
	v20 =	vld [tilespmem:s26+$0xC400];
	v17 =	vsub.bf16 v18, v17  }
0xfc: {  	v18 =	vld [tilespmem:s26+$0x4400];
	v6 =	vadd.f32 v7, v6;
	v7 =	vmul.f32 v10, v10  }
0xfd: {  	v23 =	vld [tilespmem:s26+$0x4410];
	v14 =	vsub.bf16 v9, v14;
	v12 =	vsub.bf16 v12, v13;
	v22 =	vshll.u32 v17, $0x10  }
0xfe: {  	v19 =	vsub.bf16 v11, v19;
	v10 =	vld [tilespmem:s26+$0xC410];
	v6 =	vadd.f32 v6, v7;
	v7 =	vmul.f32 v22, v22  }
0xff: {  	v13 =	vsub.bf16 v16, v15;
	v11 =	vshll.u32 v12, $0x10;
	v17 =	vand.u32 $0xFFFF0000, v17  }
0x100: {  	v16 =	vsub.bf16 v8, v21;
	v9 =	vmul.f32 v17, v17;
	v7 =	vadd.f32 v7, v6  }
0x101: {  	v8 =	vmul.f32 v11, v11;
	v15 =	vsub.bf16 v20, v18  }
0x102: {  	v62 =	vld [tilespmem:$0x10500];
	v21 =	vshll.u32 v16, $0x10;
	v18 =	vshll.u32 v13, $0x10;
	v7 =	vadd.f32 v7, v9  }
0x103: {  	v22 =	vld [tilespmem:s26+$0xC440];
	v17 =	vsub.bf16 v10, v23;
	v10 =	vand.u32 $0xFFFF0000, v12;
	v11 =	vshll.u32 v15, $0x10  }
0x104: {  	s31 =	simm.s32 $0x100;
	v6 =	vld [tilespmem:$0x10480];
	v12 =	vand.u32 $0xFFFF0000, v15;
	v10 =	vmul.f32 v10, v10;
	v7 =	vadd.f32 v8, v7  }
0x105: {  	v23 =	vand.u32 $0xFFFF0000, v16;
	v16 =	vld [tilespmem:s31+$0x4430];
	v15 =	vmul.f32 v11, v11;
	v12 =	vmul.f32 v12, v12  }
0x106: {  	v18 =	vmul.f32 v18, v18;
	v9 =	vld [tilespmem:s26+$0xC470];
	v20 =	vshll.u32 v17, $0x10;
	v7 =	vadd.f32 v7, v10  }
0x107: {  	v13 =	vand.u32 $0xFFFF0000, v13;
	v11 =	vld [tilespmem:s26+$0x4470];
	v20 =	vmul.f32 v20, v20;
	v15 =	vadd.f32 v12, v15  }
0x108: {  	v17 =	vand.u32 $0xFFFF0000, v17;
	v8 =	vld [tilespmem:s26+$0xC460];
	v7 =	vadd.f32 v18, v7;
	v18 =	vmul.f32 v13, v13  }
0x109: {  	v17 =	vmul.f32 v17, v17;
	v12 =	vld [tilespmem:s26+$0xC450];
	v15 =	vadd.f32 v20, v15;
	v20 =	vshll.u32 v14, $0x10  }
0x10a: {  	v10 =	vld [tilespmem:s26+$0x4460];
	v7 =	vadd.f32 v7, v18;
	v18 =	vmul.f32 v20, v20  }
0x10b: {  	v14 =	vand.u32 $0xFFFF0000, v14;
	v17 =	vadd.f32 v15, v17;
	v20 =	vmul.f32 v21, v21;
	v21 =	vld [tilespmem:s26+$0x4440]  }
0x10c: {  	v13 =	vld [tilespmem:s26+$0x4450];
	v14 =	vmul.f32 v14, v14;
	v7 =	vadd.f32 v18, v7  }
0x10d: {  	v23 =	vmul.f32 v23, v23;
	v15 =	vld [tilespmem:s31+$0xC430];
	v20 =	vadd.f32 v20, v17;
	v18 =	vmov s28  }
0x10e: {  	v63 =	vshll.u32 v19, $0x10;
	v17 =	vld [tilespmem:s31+$0xC420];
	vm9 =	vlt.s32 v18, v5;
	v7 =	vadd.f32 v7, v14  }
0x10f: {  	v25 =	vmul.f32 v63, v63;
	v18 =	vld [tilespmem:s31+$0x4420];
	v23 =	vadd.f32 v20, v23;
	v26 =	vsel vm9, $0x3F800000, v4  }
0x110: {  	v27 =	vand.u32 $0xFFFF0000, v19;
	v20 =	vld [tilespmem:s31+$0xC400];
	v19 =	vsub.bf16 v22, v21;
	v14 =	vmul.f32 v7, v26  }
0x111: {  	s29 =	smov.u32 s28;
	s0 =	simm.s32 $0x600;
	v21 =	vld [tilespmem:s31+$0x4400];
	v22 =	vadd.f32 v25, v23;
	v23 =	vmul.f32 v27, v27;
	v7 =	vadd.f32 v26, v62  }
.LBB2_5:
0x112: {  	p0 =	sne.s32 s0, $0xFE00;
	v24 =	vld [tilespmem:s31+$0xC410];
	v25 =	vshll.u32 v19, $0x10;
	v6 =	vadd.f32 v14, v6  }
0x113: {  	v14 =	vld [tilespmem:s31+$0x4410];
	v22 =	vadd.f32 v22, v23;
	v23 =	vmul.f32 v25, v25  }
0x114: {  	v19 =	vand.u32 $0xFFFF0000, v19;
	v12 =	vsub.bf16 v12, v13;
	v25 =	vsub.bf16 v9, v11  }
0x115: {  	v13 =	vsub.bf16 v8, v10;
	v11 =	vmul.f32 v19, v19;
	v9 =	vadd.f32 v23, v22  }
0x116: {  	v19 =	vsub.bf16 v15, v16;
	v10 =	vshll.u32 v12, $0x10;
	v8 =	vsub.bf16 v20, v21  }
0x117: {  	v16 =	vsub.bf16 v17, v18;
	v10 =	vmul.f32 v10, v10;
	v11 =	vadd.f32 v9, v11  }
0x118: {  	v12 =	vand.u32 $0xFFFF0000, v12;
	v15 =	vshll.u32 v8, $0x10;
	v14 =	vsub.bf16 v24, v14  }
0x119: {  	v12 =	vmul.f32 v12, v12;
	v8 =	vand.u32 $0xFFFF0000, v8;
	v9 =	vld [tilespmem:s31+$0xC470];
	v10 =	vadd.f32 v10, v11  }
0x11a: {  	v18 =	vshll.u32 v13, $0x10;
	v15 =	vmul.f32 v15, v15;
	v17 =	vmul.f32 v8, v8;
	v11 =	vld [tilespmem:s31+$0x4470]  }
0x11b: {  	v18 =	vmul.f32 v18, v18;
	v20 =	vshll.u32 v14, $0x10;
	v8 =	vld [tilespmem:s31+$0xC460];
	v21 =	vadd.f32 v10, v12  }
0x11c: {  	v13 =	vand.u32 $0xFFFF0000, v13;
	v15 =	vadd.f32 v17, v15;
	v17 =	vmul.f32 v20, v20;
	v10 =	vld [tilespmem:s31+$0x4460]  }
0x11d: {  	v14 =	vand.u32 $0xFFFF0000, v14;
	v20 =	vmul.f32 v13, v13;
	v12 =	vld [tilespmem:s31+$0xC450];
	v18 =	vadd.f32 v18, v21  }
0x11e: {  	v14 =	vmul.f32 v14, v14;
	v15 =	vadd.f32 v17, v15;
	v17 =	vshll.u32 v25, $0x10;
	v13 =	vld [tilespmem:s31+$0x4450]  }
0x11f: {  	v21 =	vshll.u32 v16, $0x10;
	v17 =	vmul.f32 v17, v17;
	v22 =	vld [tilespmem:s31+$0xC440];
	v18 =	vadd.f32 v18, v20  }
0x120: {  	v23 =	vand.u32 $0xFFFF0000, v25;
	v14 =	vadd.f32 v15, v14;
	v20 =	vmul.f32 v21, v21;
	v21 =	vld [tilespmem:s31+$0x4440];
	s31 =	sshra.s32 s0, $0x2  }
0x121: {  	s29 =	sadd.s32 $0x1, s29;
	v23 =	vmul.f32 v23, v23;
	v24 =	vand.u32 $0xFFFF0000, v16;
	v15 =	vld [tilespmem:s31+$0xC430];
	v18 =	vadd.f32 v17, v18  }
.Ltmp1:
0x122: {  	v14 =	vadd.f32 v20, v14;
	v20 =	vmul.f32 v24, v24;
	v24 =	vmov s29;
	v16 =	vld [tilespmem:s31+$0x4430];
	(pc) =	sbr.rel @p0 .LBB2_5-.Ltmp1, $4  }
0x123: {  	v25 =	vshll.u32 v19, $0x10;
	vm9 =	vlt.s32 v24, v5;
	v17 =	vld [tilespmem:s31+$0xC420];
	v23 =	vadd.f32 v18, v23  }
0x124: {  	v25 =	vmul.f32 v25, v25;
	v24 =	vadd.f32 v14, v20;
	v26 =	vsel vm9, $0x3F800000, v4;
	v18 =	vld [tilespmem:s31+$0x4420]  }
0x125: {  	v27 =	vand.u32 $0xFFFF0000, v19;
	v20 =	vld [tilespmem:s31+$0xC400];
	v19 =	vsub.bf16 v22, v21;
	v14 =	vmul.f32 v23, v26  }
0x126: {  	s0 =	sadd.s32 $0x200, s0;
	v7 =	vadd.f32 v26, v7;
	v22 =	vadd.f32 v25, v24;
	v23 =	vmul.f32 v27, v27;
	v21 =	vld [tilespmem:s31+$0x4400]  }
0x127: {  	v24 =	vld [tilespmem:s31+$0xC410]  }
0x128: {  	v25 =	vld [tilespmem:s31+$0x4410];
	_ =	sdelay $0x2  }
0x129: {  	v20 =	vsub.bf16 v20, v21;
	_ =	sdelay $0x1  }
0x12a: {  	v24 =	vsub.bf16 v24, v25;
	v21 =	vshll.u32 v20, $0x10;
	v20 =	vand.u32 $0xFFFF0000, v20  }
0x12b: {  	v21 =	vmul.f32 v21, v21;
	v20 =	vmul.f32 v20, v20  }
0x12c: {  	v25 =	vshll.u32 v24, $0x10  }
0x12d: {  	v51 =	vmul.f32 v25, v25;
	v20 =	vadd.f32 v20, v21  }
0x12e: {  	v17 =	vsub.bf16 v17, v18;
	v52 =	vand.u32 $0xFFFF0000, v24  }
0x12f: {  	v18 =	vmul.f32 v52, v52;
	v20 =	vadd.f32 v51, v20  }
0x130: {  	v53 =	vshll.u32 v19, $0x10;
	v57 =	vld [tilespmem:s31+$0xC440];
	v58 =	vand.u32 $0xFFFF0000, v19;
	v56 =	vshll.u32 v17, $0x10  }
0x131: {  	v60 =	vld [tilespmem:s31+$0x4440];
	v12 =	vsub.bf16 v12, v13;
	v59 =	vmul.f32 v56, v56;
	v18 =	vadd.f32 v20, v18  }
0x132: {  	v61 =	vsub.bf16 v15, v16;
	v9 =	vsub.bf16 v9, v11;
	v62 =	vand.u32 $0xFFFF0000, v17  }
0x133: {  	v8 =	vsub.bf16 v8, v10;
	v15 =	vmul.f32 v62, v62;
	v63 =	vadd.f32 v59, v18  }
0x134: {  	v27 =	vld [tilespmem:s31+$0xC450];
	v54 =	vadd.f32 v22, v23;
	v55 =	vmul.f32 v53, v53;
	v28 =	vshll.u32 v61, $0x10  }
0x135: {  	v30 =	vld [tilespmem:s31+$0x4450];
	v26 =	vmul.f32 v58, v58;
	v31 =	vmul.f32 v28, v28;
	v11 =	vadd.f32 v63, v15  }
0x136: {  	v29 =	vshll.u32 v12, $0x10;
	v13 =	vand.u32 $0xFFFF0000, v61;
	v32 =	vsub.bf16 v57, v60  }
0x137: {  	v34 =	vand.u32 $0xFFFF0000, v12;
	v13 =	vmul.f32 v13, v13;
	v11 =	vadd.f32 v31, v11  }
0x138: {  	v35 =	vld [tilespmem:s31+$0xC460];
	v41 =	vshll.u32 v8, $0x10;
	v8 =	vand.u32 $0xFFFF0000, v8;
	v36 =	vshll.u32 v32, $0x10  }
0x139: {  	v37 =	vld [tilespmem:s31+$0x4460];
	v25 =	vadd.f32 v55, v54;
	v38 =	vmul.f32 v36, v36;
	v11 =	vadd.f32 v11, v13  }
0x13a: {  	v33 =	vmul.f32 v29, v29;
	v40 =	vsub.bf16 v27, v30;
	v39 =	vand.u32 $0xFFFF0000, v32  }
0x13b: {  	v42 =	vmul.f32 v39, v39;
	v16 =	vadd.f32 v25, v26;
	v11 =	vadd.f32 v38, v11  }
0x13c: {  	v43 =	vld [tilespmem:s31+$0xC470];
	v50 =	vshll.u32 v9, $0x10;
	v10 =	vmul.f32 v34, v34;
	v45 =	vshll.u32 v40, $0x10  }
0x13d: {  	v46 =	vld [tilespmem:s31+$0x4470];
	v47 =	vmul.f32 v45, v45;
	v16 =	vadd.f32 v33, v16;
	v11 =	vadd.f32 v11, v42  }
0x13e: {  	v44 =	vmul.f32 v41, v41;
	v12 =	vsub.bf16 v35, v37;
	v48 =	vand.u32 $0xFFFF0000, v40  }
0x13f: {  	v49 =	vmul.f32 v48, v48;
	v10 =	vadd.f32 v16, v10;
	v11 =	vadd.f32 v47, v11  }
0x140: {  	v9 =	vand.u32 $0xFFFF0000, v9;
	v8 =	vmul.f32 v8, v8;
	v51 =	vshll.u32 v12, $0x10  }
0x141: {  	v53 =	vmul.f32 v51, v51;
	v10 =	vadd.f32 v44, v10;
	v52 =	vadd.f32 v11, v49  }
0x142: {  	v54 =	vmul.f32 v50, v50;
	v12 =	vand.u32 $0xFFFF0000, v12;
	v15 =	vsub.bf16 v43, v46  }
0x143: {  	s0 =	sadd.s32 $0x1, s29;
	v55 =	vmul.f32 v12, v12;
	v8 =	vadd.f32 v10, v8;
	v10 =	vadd.f32 v53, v52  }
0x144: {  	v58 =	vmov s0;
	v9 =	vmul.f32 v9, v9;
	v56 =	vshll.u32 v15, $0x10  }
0x145: {  	v8 =	vadd.f32 v54, v8;
	v57 =	vmul.f32 v56, v56;
	v10 =	vadd.f32 v10, v55  }
0x146: {  	vm9 =	vlt.s32 v58, v5;
	v59 =	vand.u32 $0xFFFF0000, v15  }
0x147: {  	s0 =	sadd.s32 $0x1, s0;
	v8 =	vadd.f32 v8, v9;
	v9 =	vmul.f32 v59, v59;
	v10 =	vadd.f32 v57, v10  }
0x148: {  	v6 =	vadd.f32 v14, v6;
	v61 =	vmov s0;
	v60 =	vsel vm9, $0x3F800000, v4  }
0x149: {  	s30 =	sadd.s32 $0x1, s30;
	vm9 =	vlt.s32 v61, v5;
	v8 =	vmul.f32 v8, v60;
	v9 =	vadd.f32 v10, v9  }
0x14a: {  	p0 =	sne.s32 s30, $0x4;
	v62 =	vsel vm9, $0x3F800000, v4;
	v7 =	vadd.f32 v60, v7  }
.Ltmp2:
0x14b: {  	v6 =	vadd.f32 v8, v6;
	v63 =	vmul.f32 v9, v62;
	(pc) =	sbr.rel @p0 .LBB2_2-.Ltmp2, $4  }
0x14c: {  	v7 =	vadd.f32 v62, v7  }
0x14d: {  	v6 =	vadd.f32 v63, v6  }
0x14e: {  	[tilespmem:$0x10500] =	vst v7  }
0x14f: {  	s8 =	sadd.s32 $0x100, s8;
	s28 =	sadd.s32 $0x100, s28;
	[tilespmem:$0x10480] =	vst v6  }
0x150: {  	s0 =	rddreg [dreg:$0x8];
	s1 =	simm.s32 $0x10480;
	s4 =	simm.s32 $0x5  }
0x151: {  	[hbm4b:s0+s16] =	stream.linear.scatter [tilespmem:s1], [sflag:$0x5], $0x100, $0x38;
	[tilespmem:$0x10580] =	vst v63  }
0x152: {  	_ =	swait.ge [sflag:s4], $0x100  }
0x153: {  	s30 =	rddreg [dreg:$0xb]  }
0x154: {  	s31 =	rddreg [dreg:$0x9];
	s1 =	sadd.s32 $0x1, s30  }
0x155: {  	p0 =	sne.s32 s1, s31  }
.Ltmp3:
0x156: {  	_ = 	snop;
	(pc) =	sbr.rel @p0 .LBB2_1-.Ltmp3, $3  }
0x157: {  	_ =	sdelay $0x1  }
0x158: {  	[sflag:s4] =	ssyncset.done $0x0  }
0x159: {  	[sflag:s4] =	ssyncadd.s32 $0xFFFFFF00  }
0x15a: {  	_ =	sfence.sel $0x180000  }
0x15b: {  	[bflag:$0x0] =	sbarrier.arrive $0xFFFF  }
0x15c: {  	_ =	strace $0x90000047  }
0x15d: {  	s0 =	stileid.u32;
	[bflag:$0x2] =	sbarrier.arrive $0xFFFF  }
0x15e: {  	p0 =	sne.s32 s0, $0x0;
	s0 =	rddreg [dreg:$0x5]  }
0x15f: {  	s0 =	sadd.s32 @!p0 $0x100000, s0  }
0x160: {  	[sflag:s0] =	ssyncadd.tile.s32 @!p0 $0x1;
	_ =	shalt  }
.Lfunc_end2:
_tile_overlayer_lowered:
.L_overlay_start_2:
0x161: {  	(tag) =	ssettag $0x2  }
0x162: {  	s0 =	rddreg [dreg:$0x0];
	s2 =	stileid.u32  }
0x163: {  	s1 =	rddreg [dreg:$0x1];
	p0 =	sne.s32 s2, $0x0  }
0x164: {  	s3 =	rddreg [dreg:$0x2];
	[bflag:$0x3] =	sbarrier.arrive $0xFFFF;
	s2 =	simm.s32 @!p0 $0x1C05  }
0x165: {  	[timem:s3], [sflag:s2] =	dma.local @!p0 [hbm:s0], s1  }
0x166: {  	s0 =	simm.s32 @!p0 $0x5  }
0x167: {  	_ =	swait.ge @!p0 [sflag:s0], s1  }
0x168: {  	s1 =	ssub.s32 @!p0 $0x0, s1;
	[sflag:s0] =	ssyncset.done @!p0 $0x0  }
0x169: {  	[sflag:s0] =	ssyncadd.s32 @!p0 s1  }
0x16a: {  	[bflag:$0x3] =	sbarrier.arrive $0xFFFF  }
0x16b: {  	_ =	shalt  }

</sc_bundles>
